<compile_context>
chip_gen: v7x
topology: tpu7x:2x2x1
jax: 0.10.2.dev20260603
libtpu: 0.0.44.dev20260713+nightly
codegen_flags: <defaults>
</compile_context>

<pallas_src>
import dataclasses
import functools

import jax
import jax.numpy as jnp
from jax import lax
from jax.experimental import pallas as pl
from jax.experimental.pallas import tpu as pltpu
from jax.experimental.pallas import tpu_sc as plsc

N = 10000
NP = 10240
E = 320000
T = 5000
TP = 5120
D = 128
NC, NS = 2, 16
NW = NC * NS
EPW = E // NW
K = 64
CH = 160
ROWS_PER_SUB = NP // NS
BR = 1024

_HI = jax.lax.Precision.HIGHEST



def _tc0_body(nt_ref, wemb_ref, bemb_ref, wt_ref, h_ref, g_ref):
    t = nt_ref[...]
    w0 = wemb_ref[0:1, :]
    w1 = wemb_ref[1:2, :]
    w2 = wemb_ref[2:3, :]
    h = jnp.where(t == 0, w0, jnp.where(t == 1, w1, w2)) + bemb_ref[...]
    h_ref[...] = h
    g_ref[...] = lax.dot_general(h, wt_ref[...], (((1,), (0,)), ((), ())),
                                 precision=_HI, preferred_element_type=jnp.float32)


def _tc_embed_matmul(nt2, wembT, bemb, wT):
    return pl.pallas_call(
        _tc0_body,
        grid=(NP // BR,),
        in_specs=[
            pl.BlockSpec((BR, 1), lambda i: (i, 0)),
            pl.BlockSpec((3, D), lambda i: (0, 0)),
            pl.BlockSpec((1, D), lambda i: (0, 0)),
            pl.BlockSpec((D, D), lambda i: (0, 0)),
        ],
        out_specs=[
            pl.BlockSpec((BR, D), lambda i: (i, 0)),
            pl.BlockSpec((BR, D), lambda i: (i, 0)),
        ],
        out_shape=[
            jax.ShapeDtypeStruct((NP, D), jnp.float32),
            jax.ShapeDtypeStruct((NP, D), jnp.float32),
        ],
    )(nt2, wembT, bemb, wT)


def _tc_mid_body(h_ref, p0_ref, p1_ref, b_ref, wt_ref, hn_ref, g_ref):
    h = h_ref[...] + jnp.maximum(p0_ref[...] + p1_ref[...] + b_ref[...], 0.0)
    hn_ref[...] = h
    g_ref[...] = lax.dot_general(h, wt_ref[...], (((1,), (0,)), ((), ())),
                                 precision=_HI, preferred_element_type=jnp.float32)


def _tc_update_matmul(h, p0, p1, b, wT):
    return pl.pallas_call(
        _tc_mid_body,
        grid=(NP // BR,),
        in_specs=[
            pl.BlockSpec((BR, D), lambda i: (i, 0)),
            pl.BlockSpec((BR, D), lambda i: (i, 0)),
            pl.BlockSpec((BR, D), lambda i: (i, 0)),
            pl.BlockSpec((1, D), lambda i: (0, 0)),
            pl.BlockSpec((D, D), lambda i: (0, 0)),
        ],
        out_specs=[
            pl.BlockSpec((BR, D), lambda i: (i, 0)),
            pl.BlockSpec((BR, D), lambda i: (i, 0)),
        ],
        out_shape=[
            jax.ShapeDtypeStruct((NP, D), jnp.float32),
            jax.ShapeDtypeStruct((NP, D), jnp.float32),
        ],
    )(h, p0, p1, b, wT)


def _tc3_body(ag_ref, h_ref, p0_ref, p1_ref, b_ref, s_ref):
    ag = ag_ref[0, 0]
    b = b_ref[...]
    h3 = h_ref[...] + jnp.maximum(p0_ref[...] + p1_ref[...] + b, 0.0)
    agrow = h_ref[pl.ds(ag, 1), :] + jnp.maximum(
        p0_ref[pl.ds(ag, 1), :] + p1_ref[pl.ds(ag, 1), :] + b, 0.0)
    s_ref[...] = lax.dot_general(h3, agrow, (((1,), (1,)), ((), ())),
                                 precision=_HI, preferred_element_type=jnp.float32)


def _tc_final_update_score(ag2, h, p0, p1, b):
    return pl.pallas_call(
        _tc3_body,
        in_specs=[
            pl.BlockSpec(memory_space=pltpu.SMEM),
            pl.BlockSpec((NP, D), lambda: (0, 0)),
            pl.BlockSpec((NP, D), lambda: (0, 0)),
            pl.BlockSpec((NP, D), lambda: (0, 0)),
            pl.BlockSpec((1, D), lambda: (0, 0)),
        ],
        out_specs=pl.BlockSpec((NP, 1), lambda: (0, 0)),
        out_shape=jax.ShapeDtypeStruct((NP, 1), jnp.float32),
    )(ag2, h, p0, p1, b)


def _tc4_body(sc_ref, mask_ref, gum_ref, pi_ref, act_ref):
    inv = jnp.float32(1.0) / jnp.sqrt(jnp.float32(D))
    score = jnp.where(mask_ref[...] != 0, -jnp.inf, sc_ref[...] * inv)
    m = jnp.max(score)
    e = jnp.exp(score - m)
    pi_ref[...] = e / jnp.sum(e)
    v = score + gum_ref[...]
    m2 = jnp.max(v)
    r = lax.broadcasted_iota(jnp.int32, (TP // D, D), 0)
    c = lax.broadcasted_iota(jnp.int32, (TP // D, D), 1)
    flat = r * D + c
    act_ref[0, 0] = jnp.min(jnp.where(v == m2, flat, jnp.int32(2**30)))


def _tc_softmax_sample(sc2, mask2, gum2):
    return pl.pallas_call(
        _tc4_body,
        in_specs=[
            pl.BlockSpec((TP // D, D), lambda: (0, 0)),
            pl.BlockSpec((TP // D, D), lambda: (0, 0)),
            pl.BlockSpec((TP // D, D), lambda: (0, 0)),
        ],
        out_specs=[
            pl.BlockSpec((TP // D, D), lambda: (0, 0)),
            pl.BlockSpec(memory_space=pltpu.SMEM),
        ],
        out_shape=[
            jax.ShapeDtypeStruct((TP // D, D), jnp.float32),
            jax.ShapeDtypeStruct((1, 1), jnp.int32),
        ],
    )(sc2, mask2, gum2)



_MESH = plsc.VectorSubcoreMesh(core_axis_name="c", subcore_axis_name="s")


@functools.partial(
    pl.kernel,
    out_type=jax.ShapeDtypeStruct((NC, NP, D), jnp.float32),
    mesh=_MESH,
    scratch_types=[
        pltpu.VMEM((CH, K), jnp.int32),
        pltpu.VMEM((CH, K), jnp.int32),
        pltpu.VMEM((K, D), jnp.float32),
        pltpu.VMEM_SHARED((NP, D), jnp.float32),
    ],
)
def _sc_segsum(g_hbm, src_hbm, dst_hbm, out_hbm, sidx, didx, rows, acc):
    cid = lax.axis_index("c")
    sid = lax.axis_index("s")
    wid = cid * NS + sid

    @pl.loop(0, K)
    def _(i):
        @pl.loop(0, D // 16)
        def _(j):
            rows.at[i][pl.ds(j * 16, 16)] = jnp.zeros((16,), jnp.float32)

    @pl.loop(0, ROWS_PER_SUB // 80)
    def _(i):
        pltpu.sync_copy(rows.at[pl.ds(0, 80)],
                        acc.at[pl.ds(sid * ROWS_PER_SUB + i * 80, 80)])

    plsc.subcore_barrier()

    pltpu.sync_copy(src_hbm.at[wid], sidx)
    pltpu.sync_copy(dst_hbm.at[wid], didx)

    @pl.loop(0, CH)
    def _(c):
        pltpu.sync_copy(g_hbm.at[sidx.at[c]], rows)
        pltpu.sync_copy(rows, acc.at[didx.at[c]], add=True)

    plsc.subcore_barrier()

    pltpu.sync_copy(acc.at[pl.ds(sid * ROWS_PER_SUB, ROWS_PER_SUB)],
                    out_hbm.at[cid].at[pl.ds(sid * ROWS_PER_SUB, ROWS_PER_SUB)])


TIPW = TP // NW

_CP = pltpu.CompilerParams()
if "needs_layout_passes" in pltpu.CompilerParams.__dataclass_fields__:
    _CP = dataclasses.replace(_CP, needs_layout_passes=False)


@functools.partial(
    pl.kernel,
    out_type=jax.ShapeDtypeStruct((TP,), jnp.float32),
    mesh=_MESH,
    compiler_params=_CP,
    scratch_types=[
        pltpu.VMEM((NP,), jnp.float32),
        pltpu.VMEM((TIPW,), jnp.int32),
        pltpu.VMEM((TIPW,), jnp.float32),
    ],
)
def _sc_score_gather(s_hbm, ti_hbm, out_hbm, sv, tiv, ov):
    cid = lax.axis_index("c")
    sid = lax.axis_index("s")
    wid = cid * NS + sid
    pltpu.sync_copy(s_hbm, sv)
    pltpu.sync_copy(ti_hbm.at[wid], tiv)

    @pl.loop(0, TIPW // 16)
    def _(j):
        iv = tiv[pl.ds(j * 16, 16)]
        ov[pl.ds(j * 16, 16)] = plsc.load_gather(sv, [iv])

    pltpu.sync_copy(ov, out_hbm.at[pl.ds(wid * TIPW, TIPW)])



def kernel(node_type, edge_index, ag_node_idx, task_node_indices, finished_task,
           W_emb, b_emb, W_gnn, b_gnn):
    f32, i32 = jnp.float32, jnp.int32
    nt2 = jnp.pad(node_type.astype(i32), (0, NP - N)).reshape(NP, 1)
    pad_e = CH * K - EPW
    src3 = jnp.pad(edge_index[0].astype(i32).reshape(NW, EPW),
                   ((0, 0), (0, pad_e)), constant_values=NP - 1).reshape(NW, CH, K)
    dst3 = jnp.pad(edge_index[1].astype(i32).reshape(NW, EPW),
                   ((0, 0), (0, pad_e)), constant_values=NP - 1).reshape(NW, CH, K)
    wembT = W_emb.T.astype(f32)
    bemb = b_emb.reshape(1, D).astype(f32)

    h, g = _tc_embed_matmul(nt2, wembT, bemb, W_gnn[0].T)
    for l in range(W_gnn.shape[0]):
        p = _sc_segsum(g, src3, dst3)
        b_l = b_gnn[l].reshape(1, D)
        if l + 1 < W_gnn.shape[0]:
            h, g = _tc_update_matmul(h, p[0], p[1], b_l, W_gnn[l + 1].T)
        else:
            ag2 = jnp.asarray(ag_node_idx, i32).reshape(1, 1)
            s = _tc_final_update_score(ag2, h, p[0], p[1], b_l)

    ti2 = jnp.pad(task_node_indices.astype(i32), (0, TP - T)).reshape(NW, TIPW)
    sc = _sc_score_gather(s.reshape(NP), ti2)

    mask2 = jnp.pad(finished_task, (0, TP - T), constant_values=True)
    mask2 = mask2.astype(i32).reshape(TP // D, D)
    gum = jax.random.gumbel(jax.random.key(42), (T,), f32)
    gum2 = jnp.pad(gum, (0, TP - T)).reshape(TP // D, D)
    pi2, act = _tc_softmax_sample(sc.reshape(TP // D, D), mask2, gum2)

    pi = pi2.reshape(TP)[:T, None]
    return act[0, 0], pi

# --- scband reference (transcript-rebuilt; emitter-appended) ---
"""Pipeline reference for scband-agent-50156628083118 (READ-ONLY COPY).

The authoritative reference and input builder live on the scoring server;
editing this copy changes nothing except your own understanding.
"""

import jax, jax.numpy as jnp
import numpy as np

N = 10000
E = 320000
T = 5000
D = 128
L = 3

def setup_inputs(seed: int = 0) -> dict:
    key = jax.random.key(seed)
    ks = jax.random.split(key, 8)
    node_type = jax.random.randint(ks[0], (N,), 0, 3)
    edge_index = jax.random.randint(ks[1], (2, E), 0, N)
    task_node_indices = jax.random.randint(ks[2], (T,), 0, N)
    finished_task = jax.random.randint(ks[3], (T,), 0, 2).astype(bool)
    W_emb = jax.random.normal(ks[4], (D, 3), dtype=jnp.float32) * 0.1
    b_emb = jnp.zeros((D,), dtype=jnp.float32)
    W_gnn = jax.random.normal(ks[5], (L, D, D), dtype=jnp.float32) * (1.0 / np.sqrt(D))
    b_gnn = jnp.zeros((L, D), dtype=jnp.float32)
    return {
        'node_type': node_type,
        'edge_index': edge_index,
        'ag_node_idx': 0,
        'task_node_indices': task_node_indices,
        'finished_task': finished_task,
        'W_emb': W_emb,
        'b_emb': b_emb,
        'W_gnn': W_gnn,
        'b_gnn': b_gnn,
    }

def reference(node_type, edge_index, ag_node_idx, task_node_indices, finished_task, W_emb, b_emb, W_gnn, b_gnn):
    # generate_feature: one-hot of node type (eye(3)[type])
    feature = jnp.eye(3, dtype=jnp.float32)[node_type]
    # self.embedding = nn.Linear(3, embedding_dim)
    nf = feature @ W_emb.T + b_emb
    # GNN with residual connections: message passing via gather(src) + scatter-add(dst)
    src = edge_index[0]
    dst = edge_index[1]
    h = nf
    n_layers = W_gnn.shape[0]
    for l in range(n_layers):
        msg = jax.ops.segment_sum(h[src], dst, num_segments=h.shape[0])
        h = h + jax.nn.relu(msg @ W_gnn[l].T + b_gnn[l])
    out_nf = h
    # agent / task scoring (scaled dot product)
    ag_nf = out_nf[ag_node_idx]
    target_nf = out_nf[task_node_indices]
    similarity = target_nf * ag_nf[None, :]
    score = jnp.sum(similarity, axis=-1, keepdims=True) / jnp.sqrt(jnp.float32(out_nf.shape[1]))
    # score[finished_task] = -inf
    score = jnp.where(finished_task[:, None], -jnp.inf, score)
    pi = jax.nn.softmax(score, axis=0)
    # Categorical(pi).sample()  (equivalent: categorical over masked logits)
    action = jax.random.categorical(jax.random.key(42), score.reshape(-1))
    return action, pi

if __name__ == "__main__":
    import jax
    _d = setup_inputs()
    print(jax.jit(kernel)(*tuple(_d.values())))

</pallas_src>

<mosaic_0001>
#map = affine_map<(d0, d1) -> (0)>
#map1 = affine_map<(d0, d1) -> (0, 0)>
module attributes {stable_mosaic.version = 14 : i64} {
  func.func @_sc_score_gather(%arg0: i32, %arg1: i32, %arg2: memref<10240xf32, #tpu.memory_space<hbm>>, %arg3: memref<32x160xi32, #tpu.memory_space<hbm>>, %arg4: memref<5120xf32, #tpu.memory_space<hbm>>, %arg5: memref<10240xf32, #tpu.memory_space<vmem>>, %arg6: memref<160xi32, #tpu.memory_space<vmem>>, %arg7: memref<160xf32, #tpu.memory_space<vmem>>) attributes {dimension_semantics = [#tpu.dimension_semantics<core_parallel>, #tpu.dimension_semantics<subcore_parallel>], iteration_bounds = array<i64: 2, 16>, scalar_prefetch = 0 : i64, scratch_operands = 3 : i64, tpu.core_type = #tpu.core_type<sc_vector_subcore>, window_params = [{transform_indices = #map}, {transform_indices = #map1}, {transform_indices = #map}]} {
    %mul3A = arith.constant 16 : i32
    %mul3A_0 = arith.muli %arg0, %mul3A : i32
    %add3A = arith.addi %mul3A_0, %arg1 : i32
    "tpu.region"() ({
      %run_scoped3A = tpu.sem_alloc : memref<!tpu.dma_semaphore, #tpu.memory_space<semaphore_mem>>
      tpu.enqueue_dma source(%arg2 : memref<10240xf32, #tpu.memory_space<hbm>>) target(%arg5 : memref<10240xf32, #tpu.memory_space<vmem>>) target_semaphore(%run_scoped3A : memref<!tpu.dma_semaphore, #tpu.memory_space<semaphore_mem>>)
      tpu.wait_dma2 semaphore(%run_scoped3A : memref<!tpu.dma_semaphore, #tpu.memory_space<semaphore_mem>>) src(%arg2 : memref<10240xf32, #tpu.memory_space<hbm>>) dst(%arg5 : memref<10240xf32, #tpu.memory_space<vmem>>)
      tpu.yield
    }) : () -> ()
    "tpu.region"() ({
      %run_scoped3A = tpu.sem_alloc : memref<!tpu.dma_semaphore, #tpu.memory_space<semaphore_mem>>
      %dma_start3A = arith.constant 0 : i32
      %dma_start3A_7 = tpu.memref_slice %arg3[%add3A, %dma_start3A] : memref<32x160xi32, #tpu.memory_space<hbm>> -> memref<1x160xi32, #tpu.memory_space<hbm>>
      %dma_start3A_8 = tpu.memref_squeeze %dma_start3A_7 : memref<1x160xi32, #tpu.memory_space<hbm>> -> memref<160xi32, #tpu.memory_space<hbm>>
      %dma_start3A_9 = arith.constant 0 : i32
      %dma_start3A_10 = tpu.memref_slice %arg3[%add3A, %dma_start3A_9] : memref<32x160xi32, #tpu.memory_space<hbm>> -> memref<1x160xi32, #tpu.memory_space<hbm>>
      %dma_start3A_11 = tpu.memref_squeeze %dma_start3A_10 : memref<1x160xi32, #tpu.memory_space<hbm>> -> memref<160xi32, #tpu.memory_space<hbm>>
      tpu.enqueue_dma source(%dma_start3A_11 : memref<160xi32, #tpu.memory_space<hbm>>) target(%arg6 : memref<160xi32, #tpu.memory_space<vmem>>) target_semaphore(%run_scoped3A : memref<!tpu.dma_semaphore, #tpu.memory_space<semaphore_mem>>)
      %dma_wait3A = arith.constant 0 : i32
      %dma_wait3A_12 = tpu.memref_slice %arg3[%add3A, %dma_wait3A] : memref<32x160xi32, #tpu.memory_space<hbm>> -> memref<1x160xi32, #tpu.memory_space<hbm>>
      %dma_wait3A_13 = tpu.memref_squeeze %dma_wait3A_12 : memref<1x160xi32, #tpu.memory_space<hbm>> -> memref<160xi32, #tpu.memory_space<hbm>>
      %dma_wait3A_14 = arith.constant 0 : i32
      %dma_wait3A_15 = tpu.memref_slice %arg3[%add3A, %dma_wait3A_14] : memref<32x160xi32, #tpu.memory_space<hbm>> -> memref<1x160xi32, #tpu.memory_space<hbm>>
      %dma_wait3A_16 = tpu.memref_squeeze %dma_wait3A_15 : memref<1x160xi32, #tpu.memory_space<hbm>> -> memref<160xi32, #tpu.memory_space<hbm>>
      tpu.wait_dma2 semaphore(%run_scoped3A : memref<!tpu.dma_semaphore, #tpu.memory_space<semaphore_mem>>) src(%dma_wait3A_16 : memref<160xi32, #tpu.memory_space<hbm>>) dst(%arg6 : memref<160xi32, #tpu.memory_space<vmem>>)
      tpu.yield
    }) : () -> ()
    %scan3A = arith.constant 0 : i32
    %scan3A_1 = arith.constant 10 : i32
    %scan3A_2 = arith.addi %scan3A, %scan3A_1 : i32
    %scan3A_3 = arith.constant 1 : i32
    scf.for %scan3A_7 = %scan3A to %scan3A_2 step %scan3A_3  : i32 {
      %mul3A_8 = arith.constant 1 : i32
      %mul3A_9 = arith.muli %scan3A_7, %mul3A_8 : i32
      %add3A_10 = arith.constant 0 : i32
      %add3A_11 = arith.addi %add3A_10, %mul3A_9 : i32
      %mul3A_12 = arith.constant 16 : i32
      %mul3A_13 = arith.muli %add3A_11, %mul3A_12 : i32
      %get3A = arith.index_cast %mul3A_13 : i32 to index
      %get3A_14 = tpu.vector_load %arg6[%get3A] {strides = array<i32>} : memref<160xi32, #tpu.memory_space<vmem>>, vector<16xi32>,
      %gather3A = tpu.vector_load_idx %arg5[%get3A_14] : memref<10240xf32, #tpu.memory_space<vmem>>[vector<16xi32>], vector<16xf32>,
      %mul3A_15 = arith.constant 16 : i32
      %mul3A_16 = arith.muli %add3A_11, %mul3A_15 : i32
      %swap3A = arith.index_cast %mul3A_16 : i32 to index
      %swap3A_17 = tpu.vector_load %arg7[%swap3A] {strides = array<i32>} : memref<160xf32, #tpu.memory_space<vmem>>, vector<16xf32>,
      tpu.vector_store %arg7[%swap3A], %gather3A {strides = array<i32>} : memref<160xf32, #tpu.memory_space<vmem>>, vector<16xf32>,
    }
    %scan3A_4 = arith.constant 10 : i32
    %mul3A_5 = arith.constant 160 : i32
    %mul3A_6 = arith.muli %add3A, %mul3A_5 : i32
    "tpu.region"() ({
      %run_scoped3A = tpu.sem_alloc : memref<!tpu.dma_semaphore, #tpu.memory_space<semaphore_mem>>
      %dma_start3A = tpu.memref_slice %arg4[%mul3A_6] : memref<5120xf32, #tpu.memory_space<hbm>> -> memref<160xf32, #tpu.memory_space<hbm>>
      %dma_start3A_7 = tpu.memref_slice %arg4[%mul3A_6] : memref<5120xf32, #tpu.memory_space<hbm>> -> memref<160xf32, #tpu.memory_space<hbm>>
      tpu.enqueue_dma source(%arg7 : memref<160xf32, #tpu.memory_space<vmem>>) target(%dma_start3A_7 : memref<160xf32, #tpu.memory_space<hbm>>) target_semaphore(%run_scoped3A : memref<!tpu.dma_semaphore, #tpu.memory_space<semaphore_mem>>)
      %dma_wait3A = tpu.memref_slice %arg4[%mul3A_6] : memref<5120xf32, #tpu.memory_space<hbm>> -> memref<160xf32, #tpu.memory_space<hbm>>
      %dma_wait3A_8 = tpu.memref_slice %arg4[%mul3A_6] : memref<5120xf32, #tpu.memory_space<hbm>> -> memref<160xf32, #tpu.memory_space<hbm>>
      tpu.wait_dma2 semaphore(%run_scoped3A : memref<!tpu.dma_semaphore, #tpu.memory_space<semaphore_mem>>) src(%arg7 : memref<160xf32, #tpu.memory_space<vmem>>) dst(%dma_wait3A_8 : memref<160xf32, #tpu.memory_space<hbm>>)
      tpu.yield
    }) : () -> ()
    return
  }
}

#map = affine_map<(d0, d1) -> (0, 0)>
#map1 = affine_map<(d0, d1) -> (0, 0, 0)>
module attributes {stable_mosaic.version = 14 : i64} {
  func.func @_sc_segsum(%arg0: i32, %arg1: i32, %arg2: memref<10240x128xf32, #tpu.memory_space<hbm>>, %arg3: memref<32x160x64xi32, #tpu.memory_space<hbm>>, %arg4: memref<32x160x64xi32, #tpu.memory_space<hbm>>, %arg5: memref<2x10240x128xf32, #tpu.memory_space<hbm>>, %arg6: memref<160x64xi32, #tpu.memory_space<vmem>>, %arg7: memref<160x64xi32, #tpu.memory_space<vmem>>, %arg8: memref<64x128xf32, #tpu.memory_space<vmem>>, %arg9: memref<10240x128xf32, #tpu.memory_space<vmem_shared>>) attributes {dimension_semantics = [#tpu.dimension_semantics<core_parallel>, #tpu.dimension_semantics<subcore_parallel>], iteration_bounds = array<i64: 2, 16>, scalar_prefetch = 0 : i64, scratch_operands = 4 : i64, tpu.core_type = #tpu.core_type<sc_vector_subcore>, window_params = [{transform_indices = #map}, {transform_indices = #map1}, {transform_indices = #map1}, {transform_indices = #map1}]} {
    %mul3A = arith.constant 16 : i32
    %mul3A_0 = arith.muli %arg0, %mul3A : i32
    %add3A = arith.addi %mul3A_0, %arg1 : i32
    %scan3A = arith.constant 0 : i32
    %scan3A_1 = arith.constant 64 : i32
    %scan3A_2 = arith.addi %scan3A, %scan3A_1 : i32
    %scan3A_3 = arith.constant 1 : i32
    scf.for %scan3A_20 = %scan3A to %scan3A_2 step %scan3A_3  : i32 {
      %mul3A_21 = arith.constant 1 : i32
      %mul3A_22 = arith.muli %scan3A_20, %mul3A_21 : i32
      %add3A_23 = arith.constant 0 : i32
      %add3A_24 = arith.addi %add3A_23, %mul3A_22 : i32
      %scan3A_25 = arith.constant 0 : i32
      %scan3A_26 = arith.constant 8 : i32
      %scan3A_27 = arith.addi %scan3A_25, %scan3A_26 : i32
      %scan3A_28 = arith.constant 1 : i32
      scf.for %scan3A_30 = %scan3A_25 to %scan3A_27 step %scan3A_28  : i32 {
        %mul3A_31 = arith.constant 1 : i32
        %mul3A_32 = arith.muli %scan3A_30, %mul3A_31 : i32
        %add3A_33 = arith.constant 0 : i32
        %add3A_34 = arith.addi %add3A_33, %mul3A_32 : i32
        %broadcast_in_dim3A = arith.constant 0.000000e+00 : f32
        %broadcast_in_dim3A_35 = vector.broadcast %broadcast_in_dim3A : f32 to vector<16xf32>
        %mul3A_36 = arith.constant 16 : i32
        %mul3A_37 = arith.muli %add3A_34, %mul3A_36 : i32
        %swap3A = arith.constant 0 : i32
        %swap3A_38 = tpu.memref_slice %arg8[%add3A_24, %swap3A] : memref<64x128xf32, #tpu.memory_space<vmem>> -> memref<1x128xf32, #tpu.memory_space<vmem>>
        %swap3A_39 = tpu.memref_squeeze %swap3A_38 : memref<1x128xf32, #tpu.memory_space<vmem>> -> memref<128xf32, #tpu.memory_space<vmem>>
        %swap3A_40 = arith.index_cast %mul3A_37 : i32 to index
        %swap3A_41 = tpu.vector_load %swap3A_39[%swap3A_40] {strides = array<i32>} : memref<128xf32, #tpu.memory_space<vmem>>, vector<16xf32>,
        %swap3A_42 = vector.shape_cast %swap3A_41 : vector<16xf32> to vector<16xf32>
        %swap3A_43 = vector.shape_cast %broadcast_in_dim3A_35 : vector<16xf32> to vector<16xf32>
        tpu.vector_store %swap3A_39[%swap3A_40], %swap3A_43 {strides = array<i32>} : memref<128xf32, #tpu.memory_space<vmem>>, vector<16xf32>,
      }
      %scan3A_29 = arith.constant 8 : i32
    }
    %scan3A_4 = arith.constant 64 : i32
    %scan3A_5 = arith.constant 0 : i32
    %scan3A_6 = arith.constant 8 : i32
    %scan3A_7 = arith.addi %scan3A_5, %scan3A_6 : i32
    %scan3A_8 = arith.constant 1 : i32
    scf.for %scan3A_20 = %scan3A_5 to %scan3A_7 step %scan3A_8  : i32 {
      %mul3A_21 = arith.constant 1 : i32
      %mul3A_22 = arith.muli %scan3A_20, %mul3A_21 : i32
      %add3A_23 = arith.constant 0 : i32
      %add3A_24 = arith.addi %add3A_23, %mul3A_22 : i32
      %mul3A_25 = arith.constant 640 : i32
      %mul3A_26 = arith.muli %arg1, %mul3A_25 : i32
      %mul3A_27 = arith.constant 80 : i32
      %mul3A_28 = arith.muli %add3A_24, %mul3A_27 : i32
      %add3A_29 = arith.addi %mul3A_26, %mul3A_28 : i32
      "tpu.region"() ({
        %run_scoped3A = tpu.sem_alloc : memref<!tpu.dma_semaphore, #tpu.memory_space<semaphore_mem>>
        %dma_start3A = arith.constant 0 : i32
        %dma_start3A_30 = arith.constant 0 : i32
        %dma_start3A_31 = tpu.memref_slice %arg8[%dma_start3A, %dma_start3A_30] : memref<64x128xf32, #tpu.memory_space<vmem>> -> memref<80x128xf32, #tpu.memory_space<vmem>>
        %dma_start3A_32 = arith.constant 0 : i32
        %dma_start3A_33 = tpu.memref_slice %arg9[%add3A_29, %dma_start3A_32] : memref<10240x128xf32, #tpu.memory_space<vmem_shared>> -> memref<80x128xf32, #tpu.memory_space<vmem_shared>>
        %dma_start3A_34 = arith.constant 0 : i32
        %dma_start3A_35 = tpu.memref_slice %arg9[%add3A_29, %dma_start3A_34] : memref<10240x128xf32, #tpu.memory_space<vmem_shared>> -> memref<80x128xf32, #tpu.memory_space<vmem_shared>>
        %dma_start3A_36 = arith.constant 0 : i32
        %dma_start3A_37 = arith.constant 0 : i32
        %dma_start3A_38 = tpu.memref_slice %arg8[%dma_start3A_36, %dma_start3A_37] : memref<64x128xf32, #tpu.memory_space<vmem>> -> memref<80x128xf32, #tpu.memory_space<vmem>>
        tpu.enqueue_dma source(%dma_start3A_38 : memref<80x128xf32, #tpu.memory_space<vmem>>) target(%dma_start3A_35 : memref<80x128xf32, #tpu.memory_space<vmem_shared>>) target_semaphore(%run_scoped3A : memref<!tpu.dma_semaphore, #tpu.memory_space<semaphore_mem>>)
        %dma_wait3A = arith.constant 0 : i32
        %dma_wait3A_39 = arith.constant 0 : i32
        %dma_wait3A_40 = tpu.memref_slice %arg8[%dma_wait3A, %dma_wait3A_39] : memref<64x128xf32, #tpu.memory_space<vmem>> -> memref<80x128xf32, #tpu.memory_space<vmem>>
        %dma_wait3A_41 = arith.constant 0 : i32
        %dma_wait3A_42 = tpu.memref_slice %arg9[%add3A_29, %dma_wait3A_41] : memref<10240x128xf32, #tpu.memory_space<vmem_shared>> -> memref<80x128xf32, #tpu.memory_space<vmem_shared>>
        %dma_wait3A_43 = arith.constant 0 : i32
        %dma_wait3A_44 = tpu.memref_slice %arg9[%add3A_29, %dma_wait3A_43] : memref<10240x128xf32, #tpu.memory_space<vmem_shared>> -> memref<80x128xf32, #tpu.memory_space<vmem_shared>>
        %dma_wait3A_45 = arith.constant 0 : i32
        %dma_wait3A_46 = arith.constant 0 : i32
        %dma_wait3A_47 = tpu.memref_slice %arg8[%dma_wait3A_45, %dma_wait3A_46] : memref<64x128xf32, #tpu.memory_space<vmem>> -> memref<80x128xf32, #tpu.memory_space<vmem>>
        tpu.wait_dma2 semaphore(%run_scoped3A : memref<!tpu.dma_semaphore, #tpu.memory_space<semaphore_mem>>) src(%dma_wait3A_47 : memref<80x128xf32, #tpu.memory_space<vmem>>) dst(%dma_wait3A_44 : memref<80x128xf32, #tpu.memory_space<vmem_shared>>)
        tpu.yield
      }) : () -> ()
    }
    %scan3A_9 = arith.constant 8 : i32
    %barrier3A = arith.constant 0 : index
    tpu.barrier barrier_id(%barrier3A)
    "tpu.region"() ({
      %run_scoped3A = tpu.sem_alloc : memref<!tpu.dma_semaphore, #tpu.memory_space<semaphore_mem>>
      %dma_start3A = arith.constant 0 : i32
      %dma_start3A_20 = arith.constant 0 : i32
      %dma_start3A_21 = tpu.memref_slice %arg3[%add3A, %dma_start3A, %dma_start3A_20] : memref<32x160x64xi32, #tpu.memory_space<hbm>> -> memref<1x160x64xi32, #tpu.memory_space<hbm>>
      %dma_start3A_22 = tpu.memref_squeeze %dma_start3A_21 : memref<1x160x64xi32, #tpu.memory_space<hbm>> -> memref<160x64xi32, #tpu.memory_space<hbm>>
      %dma_start3A_23 = arith.constant 0 : i32
      %dma_start3A_24 = arith.constant 0 : i32
      %dma_start3A_25 = tpu.memref_slice %arg3[%add3A, %dma_start3A_23, %dma_start3A_24] : memref<32x160x64xi32, #tpu.memory_space<hbm>> -> memref<1x160x64xi32, #tpu.memory_space<hbm>>
      %dma_start3A_26 = tpu.memref_squeeze %dma_start3A_25 : memref<1x160x64xi32, #tpu.memory_space<hbm>> -> memref<160x64xi32, #tpu.memory_space<hbm>>
      tpu.enqueue_dma source(%dma_start3A_26 : memref<160x64xi32, #tpu.memory_space<hbm>>) target(%arg6 : memref<160x64xi32, #tpu.memory_space<vmem>>) target_semaphore(%run_scoped3A : memref<!tpu.dma_semaphore, #tpu.memory_space<semaphore_mem>>)
      %dma_wait3A = arith.constant 0 : i32
      %dma_wait3A_27 = arith.constant 0 : i32
      %dma_wait3A_28 = tpu.memref_slice %arg3[%add3A, %dma_wait3A, %dma_wait3A_27] : memref<32x160x64xi32, #tpu.memory_space<hbm>> -> memref<1x160x64xi32, #tpu.memory_space<hbm>>
      %dma_wait3A_29 = tpu.memref_squeeze %dma_wait3A_28 : memref<1x160x64xi32, #tpu.memory_space<hbm>> -> memref<160x64xi32, #tpu.memory_space<hbm>>
      %dma_wait3A_30 = arith.constant 0 : i32
      %dma_wait3A_31 = arith.constant 0 : i32
      %dma_wait3A_32 = tpu.memref_slice %arg3[%add3A, %dma_wait3A_30, %dma_wait3A_31] : memref<32x160x64xi32, #tpu.memory_space<hbm>> -> memref<1x160x64xi32, #tpu.memory_space<hbm>>
      %dma_wait3A_33 = tpu.memref_squeeze %dma_wait3A_32 : memref<1x160x64xi32, #tpu.memory_space<hbm>> -> memref<160x64xi32, #tpu.memory_space<hbm>>
      tpu.wait_dma2 semaphore(%run_scoped3A : memref<!tpu.dma_semaphore, #tpu.memory_space<semaphore_mem>>) src(%dma_wait3A_33 : memref<160x64xi32, #tpu.memory_space<hbm>>) dst(%arg6 : memref<160x64xi32, #tpu.memory_space<vmem>>)
      tpu.yield
    }) : () -> ()
    "tpu.region"() ({
      %run_scoped3A = tpu.sem_alloc : memref<!tpu.dma_semaphore, #tpu.memory_space<semaphore_mem>>
      %dma_start3A = arith.constant 0 : i32
      %dma_start3A_20 = arith.constant 0 : i32
      %dma_start3A_21 = tpu.memref_slice %arg4[%add3A, %dma_start3A, %dma_start3A_20] : memref<32x160x64xi32, #tpu.memory_space<hbm>> -> memref<1x160x64xi32, #tpu.memory_space<hbm>>
      %dma_start3A_22 = tpu.memref_squeeze %dma_start3A_21 : memref<1x160x64xi32, #tpu.memory_space<hbm>> -> memref<160x64xi32, #tpu.memory_space<hbm>>
      %dma_start3A_23 = arith.constant 0 : i32
      %dma_start3A_24 = arith.constant 0 : i32
      %dma_start3A_25 = tpu.memref_slice %arg4[%add3A, %dma_start3A_23, %dma_start3A_24] : memref<32x160x64xi32, #tpu.memory_space<hbm>> -> memref<1x160x64xi32, #tpu.memory_space<hbm>>
      %dma_start3A_26 = tpu.memref_squeeze %dma_start3A_25 : memref<1x160x64xi32, #tpu.memory_space<hbm>> -> memref<160x64xi32, #tpu.memory_space<hbm>>
      tpu.enqueue_dma source(%dma_start3A_26 : memref<160x64xi32, #tpu.memory_space<hbm>>) target(%arg7 : memref<160x64xi32, #tpu.memory_space<vmem>>) target_semaphore(%run_scoped3A : memref<!tpu.dma_semaphore, #tpu.memory_space<semaphore_mem>>)
      %dma_wait3A = arith.constant 0 : i32
      %dma_wait3A_27 = arith.constant 0 : i32
      %dma_wait3A_28 = tpu.memref_slice %arg4[%add3A, %dma_wait3A, %dma_wait3A_27] : memref<32x160x64xi32, #tpu.memory_space<hbm>> -> memref<1x160x64xi32, #tpu.memory_space<hbm>>
      %dma_wait3A_29 = tpu.memref_squeeze %dma_wait3A_28 : memref<1x160x64xi32, #tpu.memory_space<hbm>> -> memref<160x64xi32, #tpu.memory_space<hbm>>
      %dma_wait3A_30 = arith.constant 0 : i32
      %dma_wait3A_31 = arith.constant 0 : i32
      %dma_wait3A_32 = tpu.memref_slice %arg4[%add3A, %dma_wait3A_30, %dma_wait3A_31] : memref<32x160x64xi32, #tpu.memory_space<hbm>> -> memref<1x160x64xi32, #tpu.memory_space<hbm>>
      %dma_wait3A_33 = tpu.memref_squeeze %dma_wait3A_32 : memref<1x160x64xi32, #tpu.memory_space<hbm>> -> memref<160x64xi32, #tpu.memory_space<hbm>>
      tpu.wait_dma2 semaphore(%run_scoped3A : memref<!tpu.dma_semaphore, #tpu.memory_space<semaphore_mem>>) src(%dma_wait3A_33 : memref<160x64xi32, #tpu.memory_space<hbm>>) dst(%arg7 : memref<160x64xi32, #tpu.memory_space<vmem>>)
      tpu.yield
    }) : () -> ()
    %scan3A_10 = arith.constant 0 : i32
    %scan3A_11 = arith.constant 160 : i32
    %scan3A_12 = arith.addi %scan3A_10, %scan3A_11 : i32
    %scan3A_13 = arith.constant 1 : i32
    scf.for %scan3A_20 = %scan3A_10 to %scan3A_12 step %scan3A_13  : i32 {
      %mul3A_21 = arith.constant 1 : i32
      %mul3A_22 = arith.muli %scan3A_20, %mul3A_21 : i32
      %add3A_23 = arith.constant 0 : i32
      %add3A_24 = arith.addi %add3A_23, %mul3A_22 : i32
      "tpu.region"() ({
        %run_scoped3A = tpu.sem_alloc : memref<!tpu.dma_semaphore, #tpu.memory_space<semaphore_mem>>
        %dma_start3A = arith.constant 0 : i32
        %dma_start3A_25 = tpu.memref_slice %arg6[%add3A_24, %dma_start3A] : memref<160x64xi32, #tpu.memory_space<vmem>> -> memref<1x64xi32, #tpu.memory_space<vmem>>
        %dma_start3A_26 = tpu.memref_squeeze %dma_start3A_25 : memref<1x64xi32, #tpu.memory_space<vmem>> -> memref<64xi32, #tpu.memory_space<vmem>>
        %dma_start3A_27 = arith.constant 0 : i32
        %dma_start3A_28 = arith.constant 0 : i32
        %dma_start3A_29 = tpu.memref_slice %arg2[%dma_start3A_27, %dma_start3A_28] : memref<10240x128xf32, #tpu.memory_space<hbm>> -> memref<10240x128xf32, #tpu.memory_space<hbm>>
        tpu.enqueue_indirect_dma source(%dma_start3A_29 : memref<10240x128xf32, #tpu.memory_space<hbm>>) target(%arg8 : memref<64x128xf32, #tpu.memory_space<vmem>>) offsets(%dma_start3A_26 : memref<64xi32, #tpu.memory_space<vmem>>) semaphore(%run_scoped3A : memref<!tpu.dma_semaphore, #tpu.memory_space<semaphore_mem>>)
        %dma_wait3A = arith.constant 0 : i32
        %dma_wait3A_30 = tpu.memref_slice %arg6[%add3A_24, %dma_wait3A] : memref<160x64xi32, #tpu.memory_space<vmem>> -> memref<1x64xi32, #tpu.memory_space<vmem>>
        %dma_wait3A_31 = tpu.memref_squeeze %dma_wait3A_30 : memref<1x64xi32, #tpu.memory_space<vmem>> -> memref<64xi32, #tpu.memory_space<vmem>>
        %dma_wait3A_32 = arith.constant 0 : i32
        %dma_wait3A_33 = arith.constant 0 : i32
        %dma_wait3A_34 = tpu.memref_slice %arg2[%dma_wait3A_32, %dma_wait3A_33] : memref<10240x128xf32, #tpu.memory_space<hbm>> -> memref<10240x128xf32, #tpu.memory_space<hbm>>
        tpu.wait_indirect_dma semaphore(%run_scoped3A : memref<!tpu.dma_semaphore, #tpu.memory_space<semaphore_mem>>) src(%dma_wait3A_34 : memref<10240x128xf32, #tpu.memory_space<hbm>>) dst(%arg8 : memref<64x128xf32, #tpu.memory_space<vmem>>)
        tpu.yield
      }) : () -> ()
      "tpu.region"() ({
        %run_scoped3A = tpu.sem_alloc : memref<!tpu.dma_semaphore, #tpu.memory_space<semaphore_mem>>
        %dma_start3A = arith.constant 0 : i32
        %dma_start3A_25 = tpu.memref_slice %arg7[%add3A_24, %dma_start3A] : memref<160x64xi32, #tpu.memory_space<vmem>> -> memref<1x64xi32, #tpu.memory_space<vmem>>
        %dma_start3A_26 = tpu.memref_squeeze %dma_start3A_25 : memref<1x64xi32, #tpu.memory_space<vmem>> -> memref<64xi32, #tpu.memory_space<vmem>>
        %dma_start3A_27 = arith.constant 0 : i32
        %dma_start3A_28 = arith.constant 0 : i32
        %dma_start3A_29 = tpu.memref_slice %arg9[%dma_start3A_27, %dma_start3A_28] : memref<10240x128xf32, #tpu.memory_space<vmem_shared>> -> memref<10240x128xf32, #tpu.memory_space<vmem_shared>>
        tpu.enqueue_indirect_dma source(%arg8 : memref<64x128xf32, #tpu.memory_space<vmem>>) target(%dma_start3A_29 : memref<10240x128xf32, #tpu.memory_space<vmem_shared>>) offsets(%dma_start3A_26 : memref<64xi32, #tpu.memory_space<vmem>>) semaphore(%run_scoped3A : memref<!tpu.dma_semaphore, #tpu.memory_space<semaphore_mem>>) {add = true}
        %dma_wait3A = arith.constant 0 : i32
        %dma_wait3A_30 = tpu.memref_slice %arg7[%add3A_24, %dma_wait3A] : memref<160x64xi32, #tpu.memory_space<vmem>> -> memref<1x64xi32, #tpu.memory_space<vmem>>
        %dma_wait3A_31 = tpu.memref_squeeze %dma_wait3A_30 : memref<1x64xi32, #tpu.memory_space<vmem>> -> memref<64xi32, #tpu.memory_space<vmem>>
        %dma_wait3A_32 = arith.constant 0 : i32
        %dma_wait3A_33 = arith.constant 0 : i32
        %dma_wait3A_34 = tpu.memref_slice %arg9[%dma_wait3A_32, %dma_wait3A_33] : memref<10240x128xf32, #tpu.memory_space<vmem_shared>> -> memref<10240x128xf32, #tpu.memory_space<vmem_shared>>
        tpu.wait_indirect_dma semaphore(%run_scoped3A : memref<!tpu.dma_semaphore, #tpu.memory_space<semaphore_mem>>) src(%arg8 : memref<64x128xf32, #tpu.memory_space<vmem>>) dst(%dma_wait3A_34 : memref<10240x128xf32, #tpu.memory_space<vmem_shared>>)
        tpu.yield
      }) : () -> ()
    }
    %scan3A_14 = arith.constant 160 : i32
    %barrier3A_15 = arith.constant 0 : index
    tpu.barrier barrier_id(%barrier3A_15)
    %mul3A_16 = arith.constant 640 : i32
    %mul3A_17 = arith.muli %arg1, %mul3A_16 : i32
    %mul3A_18 = arith.constant 640 : i32
    %mul3A_19 = arith.muli %arg1, %mul3A_18 : i32
    "tpu.region"() ({
      %run_scoped3A = tpu.sem_alloc : memref<!tpu.dma_semaphore, #tpu.memory_space<semaphore_mem>>
      %dma_start3A = arith.constant 0 : i32
      %dma_start3A_20 = arith.constant 0 : i32
      %dma_start3A_21 = tpu.memref_slice %arg5[%arg0, %dma_start3A, %dma_start3A_20] : memref<2x10240x128xf32, #tpu.memory_space<hbm>> -> memref<1x10240x128xf32, #tpu.memory_space<hbm>>
      %dma_start3A_22 = tpu.memref_squeeze %dma_start3A_21 : memref<1x10240x128xf32, #tpu.memory_space<hbm>> -> memref<10240x128xf32, #tpu.memory_space<hbm>>
      %dma_start3A_23 = arith.constant 0 : i32
      %dma_start3A_24 = tpu.memref_slice %dma_start3A_22[%mul3A_19, %dma_start3A_23] : memref<10240x128xf32, #tpu.memory_space<hbm>> -> memref<640x128xf32, #tpu.memory_space<hbm>>
      %dma_start3A_25 = arith.constant 0 : i32
      %dma_start3A_26 = tpu.memref_slice %arg9[%mul3A_17, %dma_start3A_25] : memref<10240x128xf32, #tpu.memory_space<vmem_shared>> -> memref<640x128xf32, #tpu.memory_space<vmem_shared>>
      tpu.enqueue_dma source(%dma_start3A_26 : memref<640x128xf32, #tpu.memory_space<vmem_shared>>) target(%dma_start3A_24 : memref<640x128xf32, #tpu.memory_space<hbm>>) target_semaphore(%run_scoped3A : memref<!tpu.dma_semaphore, #tpu.memory_space<semaphore_mem>>)
      %dma_wait3A = arith.constant 0 : i32
      %dma_wait3A_27 = arith.constant 0 : i32
      %dma_wait3A_28 = tpu.memref_slice %arg5[%arg0, %dma_wait3A, %dma_wait3A_27] : memref<2x10240x128xf32, #tpu.memory_space<hbm>> -> memref<1x10240x128xf32, #tpu.memory_space<hbm>>
      %dma_wait3A_29 = tpu.memref_squeeze %dma_wait3A_28 : memref<1x10240x128xf32, #tpu.memory_space<hbm>> -> memref<10240x128xf32, #tpu.memory_space<hbm>>
      %dma_wait3A_30 = arith.constant 0 : i32
      %dma_wait3A_31 = tpu.memref_slice %dma_wait3A_29[%mul3A_19, %dma_wait3A_30] : memref<10240x128xf32, #tpu.memory_space<hbm>> -> memref<640x128xf32, #tpu.memory_space<hbm>>
      %dma_wait3A_32 = arith.constant 0 : i32
      %dma_wait3A_33 = tpu.memref_slice %arg9[%mul3A_17, %dma_wait3A_32] : memref<10240x128xf32, #tpu.memory_space<vmem_shared>> -> memref<640x128xf32, #tpu.memory_space<vmem_shared>>
      tpu.wait_dma2 semaphore(%run_scoped3A : memref<!tpu.dma_semaphore, #tpu.memory_space<semaphore_mem>>) src(%dma_wait3A_33 : memref<640x128xf32, #tpu.memory_space<vmem_shared>>) dst(%dma_wait3A_31 : memref<640x128xf32, #tpu.memory_space<hbm>>)
      tpu.yield
    }) : () -> ()
    return
  }
}

#map = affine_map<(d0, d1) -> (0, 0)>
#map1 = affine_map<(d0, d1) -> (0, 0, 0)>
module attributes {stable_mosaic.version = 14 : i64} {
  func.func @_sc_segsum(%arg0: i32, %arg1: i32, %arg2: memref<10240x128xf32, #tpu.memory_space<hbm>>, %arg3: memref<32x160x64xi32, #tpu.memory_space<hbm>>, %arg4: memref<32x160x64xi32, #tpu.memory_space<hbm>>, %arg5: memref<2x10240x128xf32, #tpu.memory_space<hbm>>, %arg6: memref<160x64xi32, #tpu.memory_space<vmem>>, %arg7: memref<160x64xi32, #tpu.memory_space<vmem>>, %arg8: memref<64x128xf32, #tpu.memory_space<vmem>>, %arg9: memref<10240x128xf32, #tpu.memory_space<vmem_shared>>) attributes {dimension_semantics = [#tpu.dimension_semantics<core_parallel>, #tpu.dimension_semantics<subcore_parallel>], iteration_bounds = array<i64: 2, 16>, scalar_prefetch = 0 : i64, scratch_operands = 4 : i64, tpu.core_type = #tpu.core_type<sc_vector_subcore>, window_params = [{transform_indices = #map}, {transform_indices = #map1}, {transform_indices = #map1}, {transform_indices = #map1}]} {
    %mul3A = arith.constant 16 : i32
    %mul3A_0 = arith.muli %arg0, %mul3A : i32
    %add3A = arith.addi %mul3A_0, %arg1 : i32
    %scan3A = arith.constant 0 : i32
    %scan3A_1 = arith.constant 64 : i32
    %scan3A_2 = arith.addi %scan3A, %scan3A_1 : i32
    %scan3A_3 = arith.constant 1 : i32
    scf.for %scan3A_20 = %scan3A to %scan3A_2 step %scan3A_3  : i32 {
      %mul3A_21 = arith.constant 1 : i32
      %mul3A_22 = arith.muli %scan3A_20, %mul3A_21 : i32
      %add3A_23 = arith.constant 0 : i32
      %add3A_24 = arith.addi %add3A_23, %mul3A_22 : i32
      %scan3A_25 = arith.constant 0 : i32
      %scan3A_26 = arith.constant 8 : i32
      %scan3A_27 = arith.addi %scan3A_25, %scan3A_26 : i32
      %scan3A_28 = arith.constant 1 : i32
      scf.for %scan3A_30 = %scan3A_25 to %scan3A_27 step %scan3A_28  : i32 {
        %mul3A_31 = arith.constant 1 : i32
        %mul3A_32 = arith.muli %scan3A_30, %mul3A_31 : i32
        %add3A_33 = arith.constant 0 : i32
        %add3A_34 = arith.addi %add3A_33, %mul3A_32 : i32
        %broadcast_in_dim3A = arith.constant 0.000000e+00 : f32
        %broadcast_in_dim3A_35 = vector.broadcast %broadcast_in_dim3A : f32 to vector<16xf32>
        %mul3A_36 = arith.constant 16 : i32
        %mul3A_37 = arith.muli %add3A_34, %mul3A_36 : i32
        %swap3A = arith.constant 0 : i32
        %swap3A_38 = tpu.memref_slice %arg8[%add3A_24, %swap3A] : memref<64x128xf32, #tpu.memory_space<vmem>> -> memref<1x128xf32, #tpu.memory_space<vmem>>
        %swap3A_39 = tpu.memref_squeeze %swap3A_38 : memref<1x128xf32, #tpu.memory_space<vmem>> -> memref<128xf32, #tpu.memory_space<vmem>>
        %swap3A_40 = arith.index_cast %mul3A_37 : i32 to index
        %swap3A_41 = tpu.vector_load %swap3A_39[%swap3A_40] {strides = array<i32>} : memref<128xf32, #tpu.memory_space<vmem>>, vector<16xf32>,
        %swap3A_42 = vector.shape_cast %swap3A_41 : vector<16xf32> to vector<16xf32>
        %swap3A_43 = vector.shape_cast %broadcast_in_dim3A_35 : vector<16xf32> to vector<16xf32>
        tpu.vector_store %swap3A_39[%swap3A_40], %swap3A_43 {strides = array<i32>} : memref<128xf32, #tpu.memory_space<vmem>>, vector<16xf32>,
      }
      %scan3A_29 = arith.constant 8 : i32
    }
    %scan3A_4 = arith.constant 64 : i32
    %scan3A_5 = arith.constant 0 : i32
    %scan3A_6 = arith.constant 8 : i32
    %scan3A_7 = arith.addi %scan3A_5, %scan3A_6 : i32
    %scan3A_8 = arith.constant 1 : i32
    scf.for %scan3A_20 = %scan3A_5 to %scan3A_7 step %scan3A_8  : i32 {
      %mul3A_21 = arith.constant 1 : i32
      %mul3A_22 = arith.muli %scan3A_20, %mul3A_21 : i32
      %add3A_23 = arith.constant 0 : i32
      %add3A_24 = arith.addi %add3A_23, %mul3A_22 : i32
      %mul3A_25 = arith.constant 640 : i32
      %mul3A_26 = arith.muli %arg1, %mul3A_25 : i32
      %mul3A_27 = arith.constant 80 : i32
      %mul3A_28 = arith.muli %add3A_24, %mul3A_27 : i32
      %add3A_29 = arith.addi %mul3A_26, %mul3A_28 : i32
      "tpu.region"() ({
        %run_scoped3A = tpu.sem_alloc : memref<!tpu.dma_semaphore, #tpu.memory_space<semaphore_mem>>
        %dma_start3A = arith.constant 0 : i32
        %dma_start3A_30 = arith.constant 0 : i32
        %dma_start3A_31 = tpu.memref_slice %arg8[%dma_start3A, %dma_start3A_30] : memref<64x128xf32, #tpu.memory_space<vmem>> -> memref<80x128xf32, #tpu.memory_space<vmem>>
        %dma_start3A_32 = arith.constant 0 : i32
        %dma_start3A_33 = tpu.memref_slice %arg9[%add3A_29, %dma_start3A_32] : memref<10240x128xf32, #tpu.memory_space<vmem_shared>> -> memref<80x128xf32, #tpu.memory_space<vmem_shared>>
        %dma_start3A_34 = arith.constant 0 : i32
        %dma_start3A_35 = tpu.memref_slice %arg9[%add3A_29, %dma_start3A_34] : memref<10240x128xf32, #tpu.memory_space<vmem_shared>> -> memref<80x128xf32, #tpu.memory_space<vmem_shared>>
        %dma_start3A_36 = arith.constant 0 : i32
        %dma_start3A_37 = arith.constant 0 : i32
        %dma_start3A_38 = tpu.memref_slice %arg8[%dma_start3A_36, %dma_start3A_37] : memref<64x128xf32, #tpu.memory_space<vmem>> -> memref<80x128xf32, #tpu.memory_space<vmem>>
        tpu.enqueue_dma source(%dma_start3A_38 : memref<80x128xf32, #tpu.memory_space<vmem>>) target(%dma_start3A_35 : memref<80x128xf32, #tpu.memory_space<vmem_shared>>) target_semaphore(%run_scoped3A : memref<!tpu.dma_semaphore, #tpu.memory_space<semaphore_mem>>)
        %dma_wait3A = arith.constant 0 : i32
        %dma_wait3A_39 = arith.constant 0 : i32
        %dma_wait3A_40 = tpu.memref_slice %arg8[%dma_wait3A, %dma_wait3A_39] : memref<64x128xf32, #tpu.memory_space<vmem>> -> memref<80x128xf32, #tpu.memory_space<vmem>>
        %dma_wait3A_41 = arith.constant 0 : i32
        %dma_wait3A_42 = tpu.memref_slice %arg9[%add3A_29, %dma_wait3A_41] : memref<10240x128xf32, #tpu.memory_space<vmem_shared>> -> memref<80x128xf32, #tpu.memory_space<vmem_shared>>
        %dma_wait3A_43 = arith.constant 0 : i32
        %dma_wait3A_44 = tpu.memref_slice %arg9[%add3A_29, %dma_wait3A_43] : memref<10240x128xf32, #tpu.memory_space<vmem_shared>> -> memref<80x128xf32, #tpu.memory_space<vmem_shared>>
        %dma_wait3A_45 = arith.constant 0 : i32
        %dma_wait3A_46 = arith.constant 0 : i32
        %dma_wait3A_47 = tpu.memref_slice %arg8[%dma_wait3A_45, %dma_wait3A_46] : memref<64x128xf32, #tpu.memory_space<vmem>> -> memref<80x128xf32, #tpu.memory_space<vmem>>
        tpu.wait_dma2 semaphore(%run_scoped3A : memref<!tpu.dma_semaphore, #tpu.memory_space<semaphore_mem>>) src(%dma_wait3A_47 : memref<80x128xf32, #tpu.memory_space<vmem>>) dst(%dma_wait3A_44 : memref<80x128xf32, #tpu.memory_space<vmem_shared>>)
        tpu.yield
      }) : () -> ()
    }
    %scan3A_9 = arith.constant 8 : i32
    %barrier3A = arith.constant 0 : index
    tpu.barrier barrier_id(%barrier3A)
    "tpu.region"() ({
      %run_scoped3A = tpu.sem_alloc : memref<!tpu.dma_semaphore, #tpu.memory_space<semaphore_mem>>
      %dma_start3A = arith.constant 0 : i32
      %dma_start3A_20 = arith.constant 0 : i32
      %dma_start3A_21 = tpu.memref_slice %arg3[%add3A, %dma_start3A, %dma_start3A_20] : memref<32x160x64xi32, #tpu.memory_space<hbm>> -> memref<1x160x64xi32, #tpu.memory_space<hbm>>
      %dma_start3A_22 = tpu.memref_squeeze %dma_start3A_21 : memref<1x160x64xi32, #tpu.memory_space<hbm>> -> memref<160x64xi32, #tpu.memory_space<hbm>>
      %dma_start3A_23 = arith.constant 0 : i32
      %dma_start3A_24 = arith.constant 0 : i32
      %dma_start3A_25 = tpu.memref_slice %arg3[%add3A, %dma_start3A_23, %dma_start3A_24] : memref<32x160x64xi32, #tpu.memory_space<hbm>> -> memref<1x160x64xi32, #tpu.memory_space<hbm>>
      %dma_start3A_26 = tpu.memref_squeeze %dma_start3A_25 : memref<1x160x64xi32, #tpu.memory_space<hbm>> -> memref<160x64xi32, #tpu.memory_space<hbm>>
      tpu.enqueue_dma source(%dma_start3A_26 : memref<160x64xi32, #tpu.memory_space<hbm>>) target(%arg6 : memref<160x64xi32, #tpu.memory_space<vmem>>) target_semaphore(%run_scoped3A : memref<!tpu.dma_semaphore, #tpu.memory_space<semaphore_mem>>)
      %dma_wait3A = arith.constant 0 : i32
      %dma_wait3A_27 = arith.constant 0 : i32
      %dma_wait3A_28 = tpu.memref_slice %arg3[%add3A, %dma_wait3A, %dma_wait3A_27] : memref<32x160x64xi32, #tpu.memory_space<hbm>> -> memref<1x160x64xi32, #tpu.memory_space<hbm>>
      %dma_wait3A_29 = tpu.memref_squeeze %dma_wait3A_28 : memref<1x160x64xi32, #tpu.memory_space<hbm>> -> memref<160x64xi32, #tpu.memory_space<hbm>>
      %dma_wait3A_30 = arith.constant 0 : i32
      %dma_wait3A_31 = arith.constant 0 : i32
      %dma_wait3A_32 = tpu.memref_slice %arg3[%add3A, %dma_wait3A_30, %dma_wait3A_31] : memref<32x160x64xi32, #tpu.memory_space<hbm>> -> memref<1x160x64xi32, #tpu.memory_space<hbm>>
      %dma_wait3A_33 = tpu.memref_squeeze %dma_wait3A_32 : memref<1x160x64xi32, #tpu.memory_space<hbm>> -> memref<160x64xi32, #tpu.memory_space<hbm>>
      tpu.wait_dma2 semaphore(%run_scoped3A : memref<!tpu.dma_semaphore, #tpu.memory_space<semaphore_mem>>) src(%dma_wait3A_33 : memref<160x64xi32, #tpu.memory_space<hbm>>) dst(%arg6 : memref<160x64xi32, #tpu.memory_space<vmem>>)
      tpu.yield
    }) : () -> ()
    "tpu.region"() ({
      %run_scoped3A = tpu.sem_alloc : memref<!tpu.dma_semaphore, #tpu.memory_space<semaphore_mem>>
      %dma_start3A = arith.constant 0 : i32
      %dma_start3A_20 = arith.constant 0 : i32
      %dma_start3A_21 = tpu.memref_slice %arg4[%add3A, %dma_start3A, %dma_start3A_20] : memref<32x160x64xi32, #tpu.memory_space<hbm>> -> memref<1x160x64xi32, #tpu.memory_space<hbm>>
      %dma_start3A_22 = tpu.memref_squeeze %dma_start3A_21 : memref<1x160x64xi32, #tpu.memory_space<hbm>> -> memref<160x64xi32, #tpu.memory_space<hbm>>
      %dma_start3A_23 = arith.constant 0 : i32
      %dma_start3A_24 = arith.constant 0 : i32
      %dma_start3A_25 = tpu.memref_slice %arg4[%add3A, %dma_start3A_23, %dma_start3A_24] : memref<32x160x64xi32, #tpu.memory_space<hbm>> -> memref<1x160x64xi32, #tpu.memory_space<hbm>>
      %dma_start3A_26 = tpu.memref_squeeze %dma_start3A_25 : memref<1x160x64xi32, #tpu.memory_space<hbm>> -> memref<160x64xi32, #tpu.memory_space<hbm>>
      tpu.enqueue_dma source(%dma_start3A_26 : memref<160x64xi32, #tpu.memory_space<hbm>>) target(%arg7 : memref<160x64xi32, #tpu.memory_space<vmem>>) target_semaphore(%run_scoped3A : memref<!tpu.dma_semaphore, #tpu.memory_space<semaphore_mem>>)
      %dma_wait3A = arith.constant 0 : i32
      %dma_wait3A_27 = arith.constant 0 : i32
      %dma_wait3A_28 = tpu.memref_slice %arg4[%add3A, %dma_wait3A, %dma_wait3A_27] : memref<32x160x64xi32, #tpu.memory_space<hbm>> -> memref<1x160x64xi32, #tpu.memory_space<hbm>>
      %dma_wait3A_29 = tpu.memref_squeeze %dma_wait3A_28 : memref<1x160x64xi32, #tpu.memory_space<hbm>> -> memref<160x64xi32, #tpu.memory_space<hbm>>
      %dma_wait3A_30 = arith.constant 0 : i32
      %dma_wait3A_31 = arith.constant 0 : i32
      %dma_wait3A_32 = tpu.memref_slice %arg4[%add3A, %dma_wait3A_30, %dma_wait3A_31] : memref<32x160x64xi32, #tpu.memory_space<hbm>> -> memref<1x160x64xi32, #tpu.memory_space<hbm>>
      %dma_wait3A_33 = tpu.memref_squeeze %dma_wait3A_32 : memref<1x160x64xi32, #tpu.memory_space<hbm>> -> memref<160x64xi32, #tpu.memory_space<hbm>>
      tpu.wait_dma2 semaphore(%run_scoped3A : memref<!tpu.dma_semaphore, #tpu.memory_space<semaphore_mem>>) src(%dma_wait3A_33 : memref<160x64xi32, #tpu.memory_space<hbm>>) dst(%arg7 : memref<160x64xi32, #tpu.memory_space<vmem>>)
      tpu.yield
    }) : () -> ()
    %scan3A_10 = arith.constant 0 : i32
    %scan3A_11 = arith.constant 160 : i32
    %scan3A_12 = arith.addi %scan3A_10, %scan3A_11 : i32
    %scan3A_13 = arith.constant 1 : i32
    scf.for %scan3A_20 = %scan3A_10 to %scan3A_12 step %scan3A_13  : i32 {
      %mul3A_21 = arith.constant 1 : i32
      %mul3A_22 = arith.muli %scan3A_20, %mul3A_21 : i32
      %add3A_23 = arith.constant 0 : i32
      %add3A_24 = arith.addi %add3A_23, %mul3A_22 : i32
      "tpu.region"() ({
        %run_scoped3A = tpu.sem_alloc : memref<!tpu.dma_semaphore, #tpu.memory_space<semaphore_mem>>
        %dma_start3A = arith.constant 0 : i32
        %dma_start3A_25 = tpu.memref_slice %arg6[%add3A_24, %dma_start3A] : memref<160x64xi32, #tpu.memory_space<vmem>> -> memref<1x64xi32, #tpu.memory_space<vmem>>
        %dma_start3A_26 = tpu.memref_squeeze %dma_start3A_25 : memref<1x64xi32, #tpu.memory_space<vmem>> -> memref<64xi32, #tpu.memory_space<vmem>>
        %dma_start3A_27 = arith.constant 0 : i32
        %dma_start3A_28 = arith.constant 0 : i32
        %dma_start3A_29 = tpu.memref_slice %arg2[%dma_start3A_27, %dma_start3A_28] : memref<10240x128xf32, #tpu.memory_space<hbm>> -> memref<10240x128xf32, #tpu.memory_space<hbm>>
        tpu.enqueue_indirect_dma source(%dma_start3A_29 : memref<10240x128xf32, #tpu.memory_space<hbm>>) target(%arg8 : memref<64x128xf32, #tpu.memory_space<vmem>>) offsets(%dma_start3A_26 : memref<64xi32, #tpu.memory_space<vmem>>) semaphore(%run_scoped3A : memref<!tpu.dma_semaphore, #tpu.memory_space<semaphore_mem>>)
        %dma_wait3A = arith.constant 0 : i32
        %dma_wait3A_30 = tpu.memref_slice %arg6[%add3A_24, %dma_wait3A] : memref<160x64xi32, #tpu.memory_space<vmem>> -> memref<1x64xi32, #tpu.memory_space<vmem>>
        %dma_wait3A_31 = tpu.memref_squeeze %dma_wait3A_30 : memref<1x64xi32, #tpu.memory_space<vmem>> -> memref<64xi32, #tpu.memory_space<vmem>>
        %dma_wait3A_32 = arith.constant 0 : i32
        %dma_wait3A_33 = arith.constant 0 : i32
        %dma_wait3A_34 = tpu.memref_slice %arg2[%dma_wait3A_32, %dma_wait3A_33] : memref<10240x128xf32, #tpu.memory_space<hbm>> -> memref<10240x128xf32, #tpu.memory_space<hbm>>
        tpu.wait_indirect_dma semaphore(%run_scoped3A : memref<!tpu.dma_semaphore, #tpu.memory_space<semaphore_mem>>) src(%dma_wait3A_34 : memref<10240x128xf32, #tpu.memory_space<hbm>>) dst(%arg8 : memref<64x128xf32, #tpu.memory_space<vmem>>)
        tpu.yield
      }) : () -> ()
      "tpu.region"() ({
        %run_scoped3A = tpu.sem_alloc : memref<!tpu.dma_semaphore, #tpu.memory_space<semaphore_mem>>
        %dma_start3A = arith.constant 0 : i32
        %dma_start3A_25 = tpu.memref_slice %arg7[%add3A_24, %dma_start3A] : memref<160x64xi32, #tpu.memory_space<vmem>> -> memref<1x64xi32, #tpu.memory_space<vmem>>
        %dma_start3A_26 = tpu.memref_squeeze %dma_start3A_25 : memref<1x64xi32, #tpu.memory_space<vmem>> -> memref<64xi32, #tpu.memory_space<vmem>>
        %dma_start3A_27 = arith.constant 0 : i32
        %dma_start3A_28 = arith.constant 0 : i32
        %dma_start3A_29 = tpu.memref_slice %arg9[%dma_start3A_27, %dma_start3A_28] : memref<10240x128xf32, #tpu.memory_space<vmem_shared>> -> memref<10240x128xf32, #tpu.memory_space<vmem_shared>>
        tpu.enqueue_indirect_dma source(%arg8 : memref<64x128xf32, #tpu.memory_space<vmem>>) target(%dma_start3A_29 : memref<10240x128xf32, #tpu.memory_space<vmem_shared>>) offsets(%dma_start3A_26 : memref<64xi32, #tpu.memory_space<vmem>>) semaphore(%run_scoped3A : memref<!tpu.dma_semaphore, #tpu.memory_space<semaphore_mem>>) {add = true}
        %dma_wait3A = arith.constant 0 : i32
        %dma_wait3A_30 = tpu.memref_slice %arg7[%add3A_24, %dma_wait3A] : memref<160x64xi32, #tpu.memory_space<vmem>> -> memref<1x64xi32, #tpu.memory_space<vmem>>
        %dma_wait3A_31 = tpu.memref_squeeze %dma_wait3A_30 : memref<1x64xi32, #tpu.memory_space<vmem>> -> memref<64xi32, #tpu.memory_space<vmem>>
        %dma_wait3A_32 = arith.constant 0 : i32
        %dma_wait3A_33 = arith.constant 0 : i32
        %dma_wait3A_34 = tpu.memref_slice %arg9[%dma_wait3A_32, %dma_wait3A_33] : memref<10240x128xf32, #tpu.memory_space<vmem_shared>> -> memref<10240x128xf32, #tpu.memory_space<vmem_shared>>
        tpu.wait_indirect_dma semaphore(%run_scoped3A : memref<!tpu.dma_semaphore, #tpu.memory_space<semaphore_mem>>) src(%arg8 : memref<64x128xf32, #tpu.memory_space<vmem>>) dst(%dma_wait3A_34 : memref<10240x128xf32, #tpu.memory_space<vmem_shared>>)
        tpu.yield
      }) : () -> ()
    }
    %scan3A_14 = arith.constant 160 : i32
    %barrier3A_15 = arith.constant 0 : index
    tpu.barrier barrier_id(%barrier3A_15)
    %mul3A_16 = arith.constant 640 : i32
    %mul3A_17 = arith.muli %arg1, %mul3A_16 : i32
    %mul3A_18 = arith.constant 640 : i32
    %mul3A_19 = arith.muli %arg1, %mul3A_18 : i32
    "tpu.region"() ({
      %run_scoped3A = tpu.sem_alloc : memref<!tpu.dma_semaphore, #tpu.memory_space<semaphore_mem>>
      %dma_start3A = arith.constant 0 : i32
      %dma_start3A_20 = arith.constant 0 : i32
      %dma_start3A_21 = tpu.memref_slice %arg5[%arg0, %dma_start3A, %dma_start3A_20] : memref<2x10240x128xf32, #tpu.memory_space<hbm>> -> memref<1x10240x128xf32, #tpu.memory_space<hbm>>
      %dma_start3A_22 = tpu.memref_squeeze %dma_start3A_21 : memref<1x10240x128xf32, #tpu.memory_space<hbm>> -> memref<10240x128xf32, #tpu.memory_space<hbm>>
      %dma_start3A_23 = arith.constant 0 : i32
      %dma_start3A_24 = tpu.memref_slice %dma_start3A_22[%mul3A_19, %dma_start3A_23] : memref<10240x128xf32, #tpu.memory_space<hbm>> -> memref<640x128xf32, #tpu.memory_space<hbm>>
      %dma_start3A_25 = arith.constant 0 : i32
      %dma_start3A_26 = tpu.memref_slice %arg9[%mul3A_17, %dma_start3A_25] : memref<10240x128xf32, #tpu.memory_space<vmem_shared>> -> memref<640x128xf32, #tpu.memory_space<vmem_shared>>
      tpu.enqueue_dma source(%dma_start3A_26 : memref<640x128xf32, #tpu.memory_space<vmem_shared>>) target(%dma_start3A_24 : memref<640x128xf32, #tpu.memory_space<hbm>>) target_semaphore(%run_scoped3A : memref<!tpu.dma_semaphore, #tpu.memory_space<semaphore_mem>>)
      %dma_wait3A = arith.constant 0 : i32
      %dma_wait3A_27 = arith.constant 0 : i32
      %dma_wait3A_28 = tpu.memref_slice %arg5[%arg0, %dma_wait3A, %dma_wait3A_27] : memref<2x10240x128xf32, #tpu.memory_space<hbm>> -> memref<1x10240x128xf32, #tpu.memory_space<hbm>>
      %dma_wait3A_29 = tpu.memref_squeeze %dma_wait3A_28 : memref<1x10240x128xf32, #tpu.memory_space<hbm>> -> memref<10240x128xf32, #tpu.memory_space<hbm>>
      %dma_wait3A_30 = arith.constant 0 : i32
      %dma_wait3A_31 = tpu.memref_slice %dma_wait3A_29[%mul3A_19, %dma_wait3A_30] : memref<10240x128xf32, #tpu.memory_space<hbm>> -> memref<640x128xf32, #tpu.memory_space<hbm>>
      %dma_wait3A_32 = arith.constant 0 : i32
      %dma_wait3A_33 = tpu.memref_slice %arg9[%mul3A_17, %dma_wait3A_32] : memref<10240x128xf32, #tpu.memory_space<vmem_shared>> -> memref<640x128xf32, #tpu.memory_space<vmem_shared>>
      tpu.wait_dma2 semaphore(%run_scoped3A : memref<!tpu.dma_semaphore, #tpu.memory_space<semaphore_mem>>) src(%dma_wait3A_33 : memref<640x128xf32, #tpu.memory_space<vmem_shared>>) dst(%dma_wait3A_31 : memref<640x128xf32, #tpu.memory_space<hbm>>)
      tpu.yield
    }) : () -> ()
    return
  }
}

#map = affine_map<(d0, d1) -> (0, 0)>
#map1 = affine_map<(d0, d1) -> (0, 0, 0)>
module attributes {stable_mosaic.version = 14 : i64} {
  func.func @_sc_segsum(%arg0: i32, %arg1: i32, %arg2: memref<10240x128xf32, #tpu.memory_space<hbm>>, %arg3: memref<32x160x64xi32, #tpu.memory_space<hbm>>, %arg4: memref<32x160x64xi32, #tpu.memory_space<hbm>>, %arg5: memref<2x10240x128xf32, #tpu.memory_space<hbm>>, %arg6: memref<160x64xi32, #tpu.memory_space<vmem>>, %arg7: memref<160x64xi32, #tpu.memory_space<vmem>>, %arg8: memref<64x128xf32, #tpu.memory_space<vmem>>, %arg9: memref<10240x128xf32, #tpu.memory_space<vmem_shared>>) attributes {dimension_semantics = [#tpu.dimension_semantics<core_parallel>, #tpu.dimension_semantics<subcore_parallel>], iteration_bounds = array<i64: 2, 16>, scalar_prefetch = 0 : i64, scratch_operands = 4 : i64, tpu.core_type = #tpu.core_type<sc_vector_subcore>, window_params = [{transform_indices = #map}, {transform_indices = #map1}, {transform_indices = #map1}, {transform_indices = #map1}]} {
    %mul3A = arith.constant 16 : i32
    %mul3A_0 = arith.muli %arg0, %mul3A : i32
    %add3A = arith.addi %mul3A_0, %arg1 : i32
    %scan3A = arith.constant 0 : i32
    %scan3A_1 = arith.constant 64 : i32
    %scan3A_2 = arith.addi %scan3A, %scan3A_1 : i32
    %scan3A_3 = arith.constant 1 : i32
    scf.for %scan3A_20 = %scan3A to %scan3A_2 step %scan3A_3  : i32 {
      %mul3A_21 = arith.constant 1 : i32
      %mul3A_22 = arith.muli %scan3A_20, %mul3A_21 : i32
      %add3A_23 = arith.constant 0 : i32
      %add3A_24 = arith.addi %add3A_23, %mul3A_22 : i32
      %scan3A_25 = arith.constant 0 : i32
      %scan3A_26 = arith.constant 8 : i32
      %scan3A_27 = arith.addi %scan3A_25, %scan3A_26 : i32
      %scan3A_28 = arith.constant 1 : i32
      scf.for %scan3A_30 = %scan3A_25 to %scan3A_27 step %scan3A_28  : i32 {
        %mul3A_31 = arith.constant 1 : i32
        %mul3A_32 = arith.muli %scan3A_30, %mul3A_31 : i32
        %add3A_33 = arith.constant 0 : i32
        %add3A_34 = arith.addi %add3A_33, %mul3A_32 : i32
        %broadcast_in_dim3A = arith.constant 0.000000e+00 : f32
        %broadcast_in_dim3A_35 = vector.broadcast %broadcast_in_dim3A : f32 to vector<16xf32>
        %mul3A_36 = arith.constant 16 : i32
        %mul3A_37 = arith.muli %add3A_34, %mul3A_36 : i32
        %swap3A = arith.constant 0 : i32
        %swap3A_38 = tpu.memref_slice %arg8[%add3A_24, %swap3A] : memref<64x128xf32, #tpu.memory_space<vmem>> -> memref<1x128xf32, #tpu.memory_space<vmem>>
        %swap3A_39 = tpu.memref_squeeze %swap3A_38 : memref<1x128xf32, #tpu.memory_space<vmem>> -> memref<128xf32, #tpu.memory_space<vmem>>
        %swap3A_40 = arith.index_cast %mul3A_37 : i32 to index
        %swap3A_41 = tpu.vector_load %swap3A_39[%swap3A_40] {strides = array<i32>} : memref<128xf32, #tpu.memory_space<vmem>>, vector<16xf32>,
        %swap3A_42 = vector.shape_cast %swap3A_41 : vector<16xf32> to vector<16xf32>
        %swap3A_43 = vector.shape_cast %broadcast_in_dim3A_35 : vector<16xf32> to vector<16xf32>
        tpu.vector_store %swap3A_39[%swap3A_40], %swap3A_43 {strides = array<i32>} : memref<128xf32, #tpu.memory_space<vmem>>, vector<16xf32>,
      }
      %scan3A_29 = arith.constant 8 : i32
    }
    %scan3A_4 = arith.constant 64 : i32
    %scan3A_5 = arith.constant 0 : i32
    %scan3A_6 = arith.constant 8 : i32
    %scan3A_7 = arith.addi %scan3A_5, %scan3A_6 : i32
    %scan3A_8 = arith.constant 1 : i32
    scf.for %scan3A_20 = %scan3A_5 to %scan3A_7 step %scan3A_8  : i32 {
      %mul3A_21 = arith.constant 1 : i32
      %mul3A_22 = arith.muli %scan3A_20, %mul3A_21 : i32
      %add3A_23 = arith.constant 0 : i32
      %add3A_24 = arith.addi %add3A_23, %mul3A_22 : i32
      %mul3A_25 = arith.constant 640 : i32
      %mul3A_26 = arith.muli %arg1, %mul3A_25 : i32
      %mul3A_27 = arith.constant 80 : i32
      %mul3A_28 = arith.muli %add3A_24, %mul3A_27 : i32
      %add3A_29 = arith.addi %mul3A_26, %mul3A_28 : i32
      "tpu.region"() ({
        %run_scoped3A = tpu.sem_alloc : memref<!tpu.dma_semaphore, #tpu.memory_space<semaphore_mem>>
        %dma_start3A = arith.constant 0 : i32
        %dma_start3A_30 = arith.constant 0 : i32
        %dma_start3A_31 = tpu.memref_slice %arg8[%dma_start3A, %dma_start3A_30] : memref<64x128xf32, #tpu.memory_space<vmem>> -> memref<80x128xf32, #tpu.memory_space<vmem>>
        %dma_start3A_32 = arith.constant 0 : i32
        %dma_start3A_33 = tpu.memref_slice %arg9[%add3A_29, %dma_start3A_32] : memref<10240x128xf32, #tpu.memory_space<vmem_shared>> -> memref<80x128xf32, #tpu.memory_space<vmem_shared>>
        %dma_start3A_34 = arith.constant 0 : i32
        %dma_start3A_35 = tpu.memref_slice %arg9[%add3A_29, %dma_start3A_34] : memref<10240x128xf32, #tpu.memory_space<vmem_shared>> -> memref<80x128xf32, #tpu.memory_space<vmem_shared>>
        %dma_start3A_36 = arith.constant 0 : i32
        %dma_start3A_37 = arith.constant 0 : i32
        %dma_start3A_38 = tpu.memref_slice %arg8[%dma_start3A_36, %dma_start3A_37] : memref<64x128xf32, #tpu.memory_space<vmem>> -> memref<80x128xf32, #tpu.memory_space<vmem>>
        tpu.enqueue_dma source(%dma_start3A_38 : memref<80x128xf32, #tpu.memory_space<vmem>>) target(%dma_start3A_35 : memref<80x128xf32, #tpu.memory_space<vmem_shared>>) target_semaphore(%run_scoped3A : memref<!tpu.dma_semaphore, #tpu.memory_space<semaphore_mem>>)
        %dma_wait3A = arith.constant 0 : i32
        %dma_wait3A_39 = arith.constant 0 : i32
        %dma_wait3A_40 = tpu.memref_slice %arg8[%dma_wait3A, %dma_wait3A_39] : memref<64x128xf32, #tpu.memory_space<vmem>> -> memref<80x128xf32, #tpu.memory_space<vmem>>
        %dma_wait3A_41 = arith.constant 0 : i32
        %dma_wait3A_42 = tpu.memref_slice %arg9[%add3A_29, %dma_wait3A_41] : memref<10240x128xf32, #tpu.memory_space<vmem_shared>> -> memref<80x128xf32, #tpu.memory_space<vmem_shared>>
        %dma_wait3A_43 = arith.constant 0 : i32
        %dma_wait3A_44 = tpu.memref_slice %arg9[%add3A_29, %dma_wait3A_43] : memref<10240x128xf32, #tpu.memory_space<vmem_shared>> -> memref<80x128xf32, #tpu.memory_space<vmem_shared>>
        %dma_wait3A_45 = arith.constant 0 : i32
        %dma_wait3A_46 = arith.constant 0 : i32
        %dma_wait3A_47 = tpu.memref_slice %arg8[%dma_wait3A_45, %dma_wait3A_46] : memref<64x128xf32, #tpu.memory_space<vmem>> -> memref<80x128xf32, #tpu.memory_space<vmem>>
        tpu.wait_dma2 semaphore(%run_scoped3A : memref<!tpu.dma_semaphore, #tpu.memory_space<semaphore_mem>>) src(%dma_wait3A_47 : memref<80x128xf32, #tpu.memory_space<vmem>>) dst(%dma_wait3A_44 : memref<80x128xf32, #tpu.memory_space<vmem_shared>>)
        tpu.yield
      }) : () -> ()
    }
    %scan3A_9 = arith.constant 8 : i32
    %barrier3A = arith.constant 0 : index
    tpu.barrier barrier_id(%barrier3A)
    "tpu.region"() ({
      %run_scoped3A = tpu.sem_alloc : memref<!tpu.dma_semaphore, #tpu.memory_space<semaphore_mem>>
      %dma_start3A = arith.constant 0 : i32
      %dma_start3A_20 = arith.constant 0 : i32
      %dma_start3A_21 = tpu.memref_slice %arg3[%add3A, %dma_start3A, %dma_start3A_20] : memref<32x160x64xi32, #tpu.memory_space<hbm>> -> memref<1x160x64xi32, #tpu.memory_space<hbm>>
      %dma_start3A_22 = tpu.memref_squeeze %dma_start3A_21 : memref<1x160x64xi32, #tpu.memory_space<hbm>> -> memref<160x64xi32, #tpu.memory_space<hbm>>
      %dma_start3A_23 = arith.constant 0 : i32
      %dma_start3A_24 = arith.constant 0 : i32
      %dma_start3A_25 = tpu.memref_slice %arg3[%add3A, %dma_start3A_23, %dma_start3A_24] : memref<32x160x64xi32, #tpu.memory_space<hbm>> -> memref<1x160x64xi32, #tpu.memory_space<hbm>>
      %dma_start3A_26 = tpu.memref_squeeze %dma_start3A_25 : memref<1x160x64xi32, #tpu.memory_space<hbm>> -> memref<160x64xi32, #tpu.memory_space<hbm>>
      tpu.enqueue_dma source(%dma_start3A_26 : memref<160x64xi32, #tpu.memory_space<hbm>>) target(%arg6 : memref<160x64xi32, #tpu.memory_space<vmem>>) target_semaphore(%run_scoped3A : memref<!tpu.dma_semaphore, #tpu.memory_space<semaphore_mem>>)
      %dma_wait3A = arith.constant 0 : i32
      %dma_wait3A_27 = arith.constant 0 : i32
      %dma_wait3A_28 = tpu.memref_slice %arg3[%add3A, %dma_wait3A, %dma_wait3A_27] : memref<32x160x64xi32, #tpu.memory_space<hbm>> -> memref<1x160x64xi32, #tpu.memory_space<hbm>>
      %dma_wait3A_29 = tpu.memref_squeeze %dma_wait3A_28 : memref<1x160x64xi32, #tpu.memory_space<hbm>> -> memref<160x64xi32, #tpu.memory_space<hbm>>
      %dma_wait3A_30 = arith.constant 0 : i32
      %dma_wait3A_31 = arith.constant 0 : i32
      %dma_wait3A_32 = tpu.memref_slice %arg3[%add3A, %dma_wait3A_30, %dma_wait3A_31] : memref<32x160x64xi32, #tpu.memory_space<hbm>> -> memref<1x160x64xi32, #tpu.memory_space<hbm>>
      %dma_wait3A_33 = tpu.memref_squeeze %dma_wait3A_32 : memref<1x160x64xi32, #tpu.memory_space<hbm>> -> memref<160x64xi32, #tpu.memory_space<hbm>>
      tpu.wait_dma2 semaphore(%run_scoped3A : memref<!tpu.dma_semaphore, #tpu.memory_space<semaphore_mem>>) src(%dma_wait3A_33 : memref<160x64xi32, #tpu.memory_space<hbm>>) dst(%arg6 : memref<160x64xi32, #tpu.memory_space<vmem>>)
      tpu.yield
    }) : () -> ()
    "tpu.region"() ({
      %run_scoped3A = tpu.sem_alloc : memref<!tpu.dma_semaphore, #tpu.memory_space<semaphore_mem>>
      %dma_start3A = arith.constant 0 : i32
      %dma_start3A_20 = arith.constant 0 : i32
      %dma_start3A_21 = tpu.memref_slice %arg4[%add3A, %dma_start3A, %dma_start3A_20] : memref<32x160x64xi32, #tpu.memory_space<hbm>> -> memref<1x160x64xi32, #tpu.memory_space<hbm>>
      %dma_start3A_22 = tpu.memref_squeeze %dma_start3A_21 : memref<1x160x64xi32, #tpu.memory_space<hbm>> -> memref<160x64xi32, #tpu.memory_space<hbm>>
      %dma_start3A_23 = arith.constant 0 : i32
      %dma_start3A_24 = arith.constant 0 : i32
      %dma_start3A_25 = tpu.memref_slice %arg4[%add3A, %dma_start3A_23, %dma_start3A_24] : memref<32x160x64xi32, #tpu.memory_space<hbm>> -> memref<1x160x64xi32, #tpu.memory_space<hbm>>
      %dma_start3A_26 = tpu.memref_squeeze %dma_start3A_25 : memref<1x160x64xi32, #tpu.memory_space<hbm>> -> memref<160x64xi32, #tpu.memory_space<hbm>>
      tpu.enqueue_dma source(%dma_start3A_26 : memref<160x64xi32, #tpu.memory_space<hbm>>) target(%arg7 : memref<160x64xi32, #tpu.memory_space<vmem>>) target_semaphore(%run_scoped3A : memref<!tpu.dma_semaphore, #tpu.memory_space<semaphore_mem>>)
      %dma_wait3A = arith.constant 0 : i32
      %dma_wait3A_27 = arith.constant 0 : i32
      %dma_wait3A_28 = tpu.memref_slice %arg4[%add3A, %dma_wait3A, %dma_wait3A_27] : memref<32x160x64xi32, #tpu.memory_space<hbm>> -> memref<1x160x64xi32, #tpu.memory_space<hbm>>
      %dma_wait3A_29 = tpu.memref_squeeze %dma_wait3A_28 : memref<1x160x64xi32, #tpu.memory_space<hbm>> -> memref<160x64xi32, #tpu.memory_space<hbm>>
      %dma_wait3A_30 = arith.constant 0 : i32
      %dma_wait3A_31 = arith.constant 0 : i32
      %dma_wait3A_32 = tpu.memref_slice %arg4[%add3A, %dma_wait3A_30, %dma_wait3A_31] : memref<32x160x64xi32, #tpu.memory_space<hbm>> -> memref<1x160x64xi32, #tpu.memory_space<hbm>>
      %dma_wait3A_33 = tpu.memref_squeeze %dma_wait3A_32 : memref<1x160x64xi32, #tpu.memory_space<hbm>> -> memref<160x64xi32, #tpu.memory_space<hbm>>
      tpu.wait_dma2 semaphore(%run_scoped3A : memref<!tpu.dma_semaphore, #tpu.memory_space<semaphore_mem>>) src(%dma_wait3A_33 : memref<160x64xi32, #tpu.memory_space<hbm>>) dst(%arg7 : memref<160x64xi32, #tpu.memory_space<vmem>>)
      tpu.yield
    }) : () -> ()
    %scan3A_10 = arith.constant 0 : i32
    %scan3A_11 = arith.constant 160 : i32
    %scan3A_12 = arith.addi %scan3A_10, %scan3A_11 : i32
    %scan3A_13 = arith.constant 1 : i32
    scf.for %scan3A_20 = %scan3A_10 to %scan3A_12 step %scan3A_13  : i32 {
      %mul3A_21 = arith.constant 1 : i32
      %mul3A_22 = arith.muli %scan3A_20, %mul3A_21 : i32
      %add3A_23 = arith.constant 0 : i32
      %add3A_24 = arith.addi %add3A_23, %mul3A_22 : i32
      "tpu.region"() ({
        %run_scoped3A = tpu.sem_alloc : memref<!tpu.dma_semaphore, #tpu.memory_space<semaphore_mem>>
        %dma_start3A = arith.constant 0 : i32
        %dma_start3A_25 = tpu.memref_slice %arg6[%add3A_24, %dma_start3A] : memref<160x64xi32, #tpu.memory_space<vmem>> -> memref<1x64xi32, #tpu.memory_space<vmem>>
        %dma_start3A_26 = tpu.memref_squeeze %dma_start3A_25 : memref<1x64xi32, #tpu.memory_space<vmem>> -> memref<64xi32, #tpu.memory_space<vmem>>
        %dma_start3A_27 = arith.constant 0 : i32
        %dma_start3A_28 = arith.constant 0 : i32
        %dma_start3A_29 = tpu.memref_slice %arg2[%dma_start3A_27, %dma_start3A_28] : memref<10240x128xf32, #tpu.memory_space<hbm>> -> memref<10240x128xf32, #tpu.memory_space<hbm>>
        tpu.enqueue_indirect_dma source(%dma_start3A_29 : memref<10240x128xf32, #tpu.memory_space<hbm>>) target(%arg8 : memref<64x128xf32, #tpu.memory_space<vmem>>) offsets(%dma_start3A_26 : memref<64xi32, #tpu.memory_space<vmem>>) semaphore(%run_scoped3A : memref<!tpu.dma_semaphore, #tpu.memory_space<semaphore_mem>>)
        %dma_wait3A = arith.constant 0 : i32
        %dma_wait3A_30 = tpu.memref_slice %arg6[%add3A_24, %dma_wait3A] : memref<160x64xi32, #tpu.memory_space<vmem>> -> memref<1x64xi32, #tpu.memory_space<vmem>>
        %dma_wait3A_31 = tpu.memref_squeeze %dma_wait3A_30 : memref<1x64xi32, #tpu.memory_space<vmem>> -> memref<64xi32, #tpu.memory_space<vmem>>
        %dma_wait3A_32 = arith.constant 0 : i32
        %dma_wait3A_33 = arith.constant 0 : i32
        %dma_wait3A_34 = tpu.memref_slice %arg2[%dma_wait3A_32, %dma_wait3A_33] : memref<10240x128xf32, #tpu.memory_space<hbm>> -> memref<10240x128xf32, #tpu.memory_space<hbm>>
        tpu.wait_indirect_dma semaphore(%run_scoped3A : memref<!tpu.dma_semaphore, #tpu.memory_space<semaphore_mem>>) src(%dma_wait3A_34 : memref<10240x128xf32, #tpu.memory_space<hbm>>) dst(%arg8 : memref<64x128xf32, #tpu.memory_space<vmem>>)
        tpu.yield
      }) : () -> ()
      "tpu.region"() ({
        %run_scoped3A = tpu.sem_alloc : memref<!tpu.dma_semaphore, #tpu.memory_space<semaphore_mem>>
        %dma_start3A = arith.constant 0 : i32
        %dma_start3A_25 = tpu.memref_slice %arg7[%add3A_24, %dma_start3A] : memref<160x64xi32, #tpu.memory_space<vmem>> -> memref<1x64xi32, #tpu.memory_space<vmem>>
        %dma_start3A_26 = tpu.memref_squeeze %dma_start3A_25 : memref<1x64xi32, #tpu.memory_space<vmem>> -> memref<64xi32, #tpu.memory_space<vmem>>
        %dma_start3A_27 = arith.constant 0 : i32
        %dma_start3A_28 = arith.constant 0 : i32
        %dma_start3A_29 = tpu.memref_slice %arg9[%dma_start3A_27, %dma_start3A_28] : memref<10240x128xf32, #tpu.memory_space<vmem_shared>> -> memref<10240x128xf32, #tpu.memory_space<vmem_shared>>
        tpu.enqueue_indirect_dma source(%arg8 : memref<64x128xf32, #tpu.memory_space<vmem>>) target(%dma_start3A_29 : memref<10240x128xf32, #tpu.memory_space<vmem_shared>>) offsets(%dma_start3A_26 : memref<64xi32, #tpu.memory_space<vmem>>) semaphore(%run_scoped3A : memref<!tpu.dma_semaphore, #tpu.memory_space<semaphore_mem>>) {add = true}
        %dma_wait3A = arith.constant 0 : i32
        %dma_wait3A_30 = tpu.memref_slice %arg7[%add3A_24, %dma_wait3A] : memref<160x64xi32, #tpu.memory_space<vmem>> -> memref<1x64xi32, #tpu.memory_space<vmem>>
        %dma_wait3A_31 = tpu.memref_squeeze %dma_wait3A_30 : memref<1x64xi32, #tpu.memory_space<vmem>> -> memref<64xi32, #tpu.memory_space<vmem>>
        %dma_wait3A_32 = arith.constant 0 : i32
        %dma_wait3A_33 = arith.constant 0 : i32
        %dma_wait3A_34 = tpu.memref_slice %arg9[%dma_wait3A_32, %dma_wait3A_33] : memref<10240x128xf32, #tpu.memory_space<vmem_shared>> -> memref<10240x128xf32, #tpu.memory_space<vmem_shared>>
        tpu.wait_indirect_dma semaphore(%run_scoped3A : memref<!tpu.dma_semaphore, #tpu.memory_space<semaphore_mem>>) src(%arg8 : memref<64x128xf32, #tpu.memory_space<vmem>>) dst(%dma_wait3A_34 : memref<10240x128xf32, #tpu.memory_space<vmem_shared>>)
        tpu.yield
      }) : () -> ()
    }
    %scan3A_14 = arith.constant 160 : i32
    %barrier3A_15 = arith.constant 0 : index
    tpu.barrier barrier_id(%barrier3A_15)
    %mul3A_16 = arith.constant 640 : i32
    %mul3A_17 = arith.muli %arg1, %mul3A_16 : i32
    %mul3A_18 = arith.constant 640 : i32
    %mul3A_19 = arith.muli %arg1, %mul3A_18 : i32
    "tpu.region"() ({
      %run_scoped3A = tpu.sem_alloc : memref<!tpu.dma_semaphore, #tpu.memory_space<semaphore_mem>>
      %dma_start3A = arith.constant 0 : i32
      %dma_start3A_20 = arith.constant 0 : i32
      %dma_start3A_21 = tpu.memref_slice %arg5[%arg0, %dma_start3A, %dma_start3A_20] : memref<2x10240x128xf32, #tpu.memory_space<hbm>> -> memref<1x10240x128xf32, #tpu.memory_space<hbm>>
      %dma_start3A_22 = tpu.memref_squeeze %dma_start3A_21 : memref<1x10240x128xf32, #tpu.memory_space<hbm>> -> memref<10240x128xf32, #tpu.memory_space<hbm>>
      %dma_start3A_23 = arith.constant 0 : i32
      %dma_start3A_24 = tpu.memref_slice %dma_start3A_22[%mul3A_19, %dma_start3A_23] : memref<10240x128xf32, #tpu.memory_space<hbm>> -> memref<640x128xf32, #tpu.memory_space<hbm>>
      %dma_start3A_25 = arith.constant 0 : i32
      %dma_start3A_26 = tpu.memref_slice %arg9[%mul3A_17, %dma_start3A_25] : memref<10240x128xf32, #tpu.memory_space<vmem_shared>> -> memref<640x128xf32, #tpu.memory_space<vmem_shared>>
      tpu.enqueue_dma source(%dma_start3A_26 : memref<640x128xf32, #tpu.memory_space<vmem_shared>>) target(%dma_start3A_24 : memref<640x128xf32, #tpu.memory_space<hbm>>) target_semaphore(%run_scoped3A : memref<!tpu.dma_semaphore, #tpu.memory_space<semaphore_mem>>)
      %dma_wait3A = arith.constant 0 : i32
      %dma_wait3A_27 = arith.constant 0 : i32
      %dma_wait3A_28 = tpu.memref_slice %arg5[%arg0, %dma_wait3A, %dma_wait3A_27] : memref<2x10240x128xf32, #tpu.memory_space<hbm>> -> memref<1x10240x128xf32, #tpu.memory_space<hbm>>
      %dma_wait3A_29 = tpu.memref_squeeze %dma_wait3A_28 : memref<1x10240x128xf32, #tpu.memory_space<hbm>> -> memref<10240x128xf32, #tpu.memory_space<hbm>>
      %dma_wait3A_30 = arith.constant 0 : i32
      %dma_wait3A_31 = tpu.memref_slice %dma_wait3A_29[%mul3A_19, %dma_wait3A_30] : memref<10240x128xf32, #tpu.memory_space<hbm>> -> memref<640x128xf32, #tpu.memory_space<hbm>>
      %dma_wait3A_32 = arith.constant 0 : i32
      %dma_wait3A_33 = tpu.memref_slice %arg9[%mul3A_17, %dma_wait3A_32] : memref<10240x128xf32, #tpu.memory_space<vmem_shared>> -> memref<640x128xf32, #tpu.memory_space<vmem_shared>>
      tpu.wait_dma2 semaphore(%run_scoped3A : memref<!tpu.dma_semaphore, #tpu.memory_space<semaphore_mem>>) src(%dma_wait3A_33 : memref<640x128xf32, #tpu.memory_space<vmem_shared>>) dst(%dma_wait3A_31 : memref<640x128xf32, #tpu.memory_space<hbm>>)
      tpu.yield
    }) : () -> ()
    return
  }
}

module attributes {stable_mosaic.version = 14 : i64} {
  func.func @_tc0_body(%arg0: i32, %arg1: memref<1024x1xi32, #tpu.memory_space<vmem>>, %arg2: memref<3x128xf32, #tpu.memory_space<vmem>>, %arg3: memref<1x128xf32, #tpu.memory_space<vmem>>, %arg4: memref<128x128xf32, #tpu.memory_space<vmem>>, %arg5: memref<1024x128xf32, #tpu.memory_space<vmem>>, %arg6: memref<1024x128xf32, #tpu.memory_space<vmem>>) attributes {dimension_semantics = [#tpu.dimension_semantics<arbitrary>], iteration_bounds = array<i64: 10>, scalar_prefetch = 0 : i64, scratch_operands = 0 : i64, tpu.core_type = #tpu.core_type<tc>, window_params = [{transform_indices = @transform_0, window_bounds = array<i64: 1024, 1>}, {pipeline_mode = #tpu.pipeline_mode<synchronous>, transform_indices = @transform_1, window_bounds = array<i64: 3, 128>}, {pipeline_mode = #tpu.pipeline_mode<synchronous>, transform_indices = @transform_2, window_bounds = array<i64: 1, 128>}, {pipeline_mode = #tpu.pipeline_mode<synchronous>, transform_indices = @transform_3, window_bounds = array<i64: 128, 128>}, {transform_indices = @transform_4, window_bounds = array<i64: 1024, 128>}, {transform_indices = @transform_5, window_bounds = array<i64: 1024, 128>}]} {
    %get3A = arith.constant 0 : index
    %get3A_0 = arith.constant 0 : index
    %get3A_1 = vector.load %arg1[%get3A, %get3A_0] : memref<1024x1xi32, #tpu.memory_space<vmem>>, vector<1024x1xi32>
    %get3A_2 = arith.constant 0 : index
    %get3A_3 = arith.constant 0 : index
    %get3A_4 = vector.load %arg2[%get3A_2, %get3A_3] : memref<3x128xf32, #tpu.memory_space<vmem>>, vector<1x128xf32>
    %get3A_5 = arith.constant 1 : index
    %get3A_6 = arith.constant 0 : index
    %get3A_7 = vector.load %arg2[%get3A_5, %get3A_6] : memref<3x128xf32, #tpu.memory_space<vmem>>, vector<1x128xf32>
    %get3A_8 = arith.constant 2 : index
    %get3A_9 = arith.constant 0 : index
    %get3A_10 = vector.load %arg2[%get3A_8, %get3A_9] : memref<3x128xf32, #tpu.memory_space<vmem>>, vector<1x128xf32>
    %eq3A = arith.constant 0 : i32
    %eq3A_11 = vector.broadcast %eq3A : i32 to vector<1024x1xi32>
    %eq3A_12 = arith.cmpi eq, %get3A_1, %eq3A_11 : vector<1024x1xi32>
    %eq3A_13 = arith.constant 1 : i32
    %eq3A_14 = vector.broadcast %eq3A_13 : i32 to vector<1024x1xi32>
    %eq3A_15 = arith.cmpi eq, %get3A_1, %eq3A_14 : vector<1024x1xi32>
    %broadcast_in_dim3A = vector.shape_cast %eq3A_15 : vector<1024x1xi1> to vector<1024x1xi1>
    %broadcast_in_dim3A_16 = vector.broadcast %broadcast_in_dim3A : vector<1024x1xi1> to vector<1024x128xi1>
    %broadcast_in_dim3A_17 = vector.shape_cast %get3A_7 : vector<1x128xf32> to vector<1x128xf32>
    %broadcast_in_dim3A_18 = vector.broadcast %broadcast_in_dim3A_17 : vector<1x128xf32> to vector<1024x128xf32>
    %broadcast_in_dim3A_19 = vector.shape_cast %get3A_10 : vector<1x128xf32> to vector<1x128xf32>
    %broadcast_in_dim3A_20 = vector.broadcast %broadcast_in_dim3A_19 : vector<1x128xf32> to vector<1024x128xf32>
    %select_n3A = arith.select %broadcast_in_dim3A_16, %broadcast_in_dim3A_18, %broadcast_in_dim3A_20 : vector<1024x128xi1>, vector<1024x128xf32>
    %broadcast_in_dim3A_21 = vector.shape_cast %eq3A_12 : vector<1024x1xi1> to vector<1024x1xi1>
    %broadcast_in_dim3A_22 = vector.broadcast %broadcast_in_dim3A_21 : vector<1024x1xi1> to vector<1024x128xi1>
    %broadcast_in_dim3A_23 = vector.shape_cast %get3A_4 : vector<1x128xf32> to vector<1x128xf32>
    %broadcast_in_dim3A_24 = vector.broadcast %broadcast_in_dim3A_23 : vector<1x128xf32> to vector<1024x128xf32>
    %select_n3A_25 = arith.select %broadcast_in_dim3A_22, %broadcast_in_dim3A_24, %select_n3A : vector<1024x128xi1>, vector<1024x128xf32>
    %get3A_26 = arith.constant 0 : index
    %get3A_27 = arith.constant 0 : index
    %get3A_28 = vector.load %arg3[%get3A_26, %get3A_27] : memref<1x128xf32, #tpu.memory_space<vmem>>, vector<1x128xf32>
    %add3A = vector.broadcast %get3A_28 : vector<1x128xf32> to vector<1024x128xf32>
    %add3A_29 = arith.addf %select_n3A_25, %add3A : vector<1024x128xf32>
    %swap3A = arith.constant 0 : index
    %swap3A_30 = arith.constant 0 : index
    %swap3A_31 = vector.load %arg5[%swap3A, %swap3A_30] : memref<1024x128xf32, #tpu.memory_space<vmem>>, vector<1024x128xf32>
    tpu.vector_store %arg5[%swap3A, %swap3A_30], %add3A_29 {strides = array<i32>} : memref<1024x128xf32, #tpu.memory_space<vmem>>, vector<1024x128xf32>,
    %get3A_32 = arith.constant 0 : index
    %get3A_33 = arith.constant 0 : index
    %get3A_34 = vector.load %arg4[%get3A_32, %get3A_33] : memref<128x128xf32, #tpu.memory_space<vmem>>, vector<128x128xf32>
    %dot_general3A = arith.constant dense<0.000000e+00> : vector<1024x128xf32>
    %dot_general3A_35 = tpu.matmul %add3A_29, %get3A_34, %dot_general3A {dimension_numbers = #tpu.dot_dimension_numbers<[1], [0], [0], [1], [0, 0, 1, 1], [], []>, precision = #tpu.contract_precision<fp32>, transpose_lhs_hint = false} : vector<1024x128xf32>, vector<128x128xf32>, vector<1024x128xf32> -> vector<1024x128xf32>
    %swap3A_36 = arith.constant 0 : index
    %swap3A_37 = arith.constant 0 : index
    %swap3A_38 = vector.load %arg6[%swap3A_36, %swap3A_37] : memref<1024x128xf32, #tpu.memory_space<vmem>>, vector<1024x128xf32>
    tpu.vector_store %arg6[%swap3A_36, %swap3A_37], %dot_general3A_35 {strides = array<i32>} : memref<1024x128xf32, #tpu.memory_space<vmem>>, vector<1024x128xf32>,
    return
  }
  func.func @transform_0(%arg0: i32) -> (i32, i32) {
    %c0_i32 = arith.constant 0 : i32
    %c0_i32_0 = arith.constant 0 : i32
    return %arg0, %c0_i32 : i32, i32
  }
  func.func @transform_1(%arg0: i32) -> (i32, i32) {
    %c0_i32 = arith.constant 0 : i32
    %c0_i32_0 = arith.constant 0 : i32
    %c0_i32_1 = arith.constant 0 : i32
    return %c0_i32, %c0_i32_0 : i32, i32
  }
  func.func @transform_2(%arg0: i32) -> (i32, i32) {
    %c0_i32 = arith.constant 0 : i32
    %c0_i32_0 = arith.constant 0 : i32
    %c0_i32_1 = arith.constant 0 : i32
    return %c0_i32, %c0_i32_0 : i32, i32
  }
  func.func @transform_3(%arg0: i32) -> (i32, i32) {
    %c0_i32 = arith.constant 0 : i32
    %c0_i32_0 = arith.constant 0 : i32
    %c0_i32_1 = arith.constant 0 : i32
    return %c0_i32, %c0_i32_0 : i32, i32
  }
  func.func @transform_4(%arg0: i32) -> (i32, i32) {
    %c0_i32 = arith.constant 0 : i32
    %c0_i32_0 = arith.constant 0 : i32
    return %arg0, %c0_i32 : i32, i32
  }
  func.func @transform_5(%arg0: i32) -> (i32, i32) {
    %c0_i32 = arith.constant 0 : i32
    %c0_i32_0 = arith.constant 0 : i32
    return %arg0, %c0_i32 : i32, i32
  }
}

module attributes {stable_mosaic.version = 14 : i64} {
  func.func @_tc_mid_body(%arg0: i32, %arg1: memref<1024x128xf32, #tpu.memory_space<vmem>>, %arg2: memref<1024x128xf32, #tpu.memory_space<vmem>>, %arg3: memref<1024x128xf32, #tpu.memory_space<vmem>>, %arg4: memref<1x128xf32, #tpu.memory_space<vmem>>, %arg5: memref<128x128xf32, #tpu.memory_space<vmem>>, %arg6: memref<1024x128xf32, #tpu.memory_space<vmem>>, %arg7: memref<1024x128xf32, #tpu.memory_space<vmem>>) attributes {dimension_semantics = [#tpu.dimension_semantics<arbitrary>], iteration_bounds = array<i64: 10>, scalar_prefetch = 0 : i64, scratch_operands = 0 : i64, tpu.core_type = #tpu.core_type<tc>, window_params = [{transform_indices = @transform_0, window_bounds = array<i64: 1024, 128>}, {transform_indices = @transform_1, window_bounds = array<i64: 1024, 128>}, {transform_indices = @transform_2, window_bounds = array<i64: 1024, 128>}, {pipeline_mode = #tpu.pipeline_mode<synchronous>, transform_indices = @transform_3, window_bounds = array<i64: 1, 128>}, {pipeline_mode = #tpu.pipeline_mode<synchronous>, transform_indices = @transform_4, window_bounds = array<i64: 128, 128>}, {transform_indices = @transform_5, window_bounds = array<i64: 1024, 128>}, {transform_indices = @transform_6, window_bounds = array<i64: 1024, 128>}]} {
    %get3A = arith.constant 0 : index
    %get3A_0 = arith.constant 0 : index
    %get3A_1 = vector.load %arg1[%get3A, %get3A_0] : memref<1024x128xf32, #tpu.memory_space<vmem>>, vector<1024x128xf32>
    %get3A_2 = arith.constant 0 : index
    %get3A_3 = arith.constant 0 : index
    %get3A_4 = vector.load %arg2[%get3A_2, %get3A_3] : memref<1024x128xf32, #tpu.memory_space<vmem>>, vector<1024x128xf32>
    %get3A_5 = arith.constant 0 : index
    %get3A_6 = arith.constant 0 : index
    %get3A_7 = vector.load %arg3[%get3A_5, %get3A_6] : memref<1024x128xf32, #tpu.memory_space<vmem>>, vector<1024x128xf32>
    %add3A = arith.addf %get3A_4, %get3A_7 : vector<1024x128xf32>
    %get3A_8 = arith.constant 0 : index
    %get3A_9 = arith.constant 0 : index
    %get3A_10 = vector.load %arg4[%get3A_8, %get3A_9] : memref<1x128xf32, #tpu.memory_space<vmem>>, vector<1x128xf32>
    %add3A_11 = vector.broadcast %get3A_10 : vector<1x128xf32> to vector<1024x128xf32>
    %add3A_12 = arith.addf %add3A, %add3A_11 : vector<1024x128xf32>
    %max3A = arith.constant 0.000000e+00 : f32
    %max3A_13 = vector.broadcast %max3A : f32 to vector<1024x128xf32>
    %max3A_14 = arith.maximumf %add3A_12, %max3A_13 : vector<1024x128xf32>
    %add3A_15 = arith.addf %get3A_1, %max3A_14 : vector<1024x128xf32>
    %swap3A = arith.constant 0 : index
    %swap3A_16 = arith.constant 0 : index
    %swap3A_17 = vector.load %arg6[%swap3A, %swap3A_16] : memref<1024x128xf32, #tpu.memory_space<vmem>>, vector<1024x128xf32>
    tpu.vector_store %arg6[%swap3A, %swap3A_16], %add3A_15 {strides = array<i32>} : memref<1024x128xf32, #tpu.memory_space<vmem>>, vector<1024x128xf32>,
    %get3A_18 = arith.constant 0 : index
    %get3A_19 = arith.constant 0 : index
    %get3A_20 = vector.load %arg5[%get3A_18, %get3A_19] : memref<128x128xf32, #tpu.memory_space<vmem>>, vector<128x128xf32>
    %dot_general3A = arith.constant dense<0.000000e+00> : vector<1024x128xf32>
    %dot_general3A_21 = tpu.matmul %add3A_15, %get3A_20, %dot_general3A {dimension_numbers = #tpu.dot_dimension_numbers<[1], [0], [0], [1], [0, 0, 1, 1], [], []>, precision = #tpu.contract_precision<fp32>, transpose_lhs_hint = false} : vector<1024x128xf32>, vector<128x128xf32>, vector<1024x128xf32> -> vector<1024x128xf32>
    %swap3A_22 = arith.constant 0 : index
    %swap3A_23 = arith.constant 0 : index
    %swap3A_24 = vector.load %arg7[%swap3A_22, %swap3A_23] : memref<1024x128xf32, #tpu.memory_space<vmem>>, vector<1024x128xf32>
    tpu.vector_store %arg7[%swap3A_22, %swap3A_23], %dot_general3A_21 {strides = array<i32>} : memref<1024x128xf32, #tpu.memory_space<vmem>>, vector<1024x128xf32>,
    return
  }
  func.func @transform_0(%arg0: i32) -> (i32, i32) {
    %c0_i32 = arith.constant 0 : i32
    %c0_i32_0 = arith.constant 0 : i32
    return %arg0, %c0_i32 : i32, i32
  }
  func.func @transform_1(%arg0: i32) -> (i32, i32) {
    %c0_i32 = arith.constant 0 : i32
    %c0_i32_0 = arith.constant 0 : i32
    return %arg0, %c0_i32 : i32, i32
  }
  func.func @transform_2(%arg0: i32) -> (i32, i32) {
    %c0_i32 = arith.constant 0 : i32
    %c0_i32_0 = arith.constant 0 : i32
    return %arg0, %c0_i32 : i32, i32
  }
  func.func @transform_3(%arg0: i32) -> (i32, i32) {
    %c0_i32 = arith.constant 0 : i32
    %c0_i32_0 = arith.constant 0 : i32
    %c0_i32_1 = arith.constant 0 : i32
    return %c0_i32, %c0_i32_0 : i32, i32
  }
  func.func @transform_4(%arg0: i32) -> (i32, i32) {
    %c0_i32 = arith.constant 0 : i32
    %c0_i32_0 = arith.constant 0 : i32
    %c0_i32_1 = arith.constant 0 : i32
    return %c0_i32, %c0_i32_0 : i32, i32
  }
  func.func @transform_5(%arg0: i32) -> (i32, i32) {
    %c0_i32 = arith.constant 0 : i32
    %c0_i32_0 = arith.constant 0 : i32
    return %arg0, %c0_i32 : i32, i32
  }
  func.func @transform_6(%arg0: i32) -> (i32, i32) {
    %c0_i32 = arith.constant 0 : i32
    %c0_i32_0 = arith.constant 0 : i32
    return %arg0, %c0_i32 : i32, i32
  }
}

module attributes {stable_mosaic.version = 14 : i64} {
  func.func @_tc3_body(%arg0: memref<1x1xi32, #tpu.memory_space<smem>>, %arg1: memref<10240x128xf32, #tpu.memory_space<vmem>>, %arg2: memref<10240x128xf32, #tpu.memory_space<vmem>>, %arg3: memref<10240x128xf32, #tpu.memory_space<vmem>>, %arg4: memref<1x128xf32, #tpu.memory_space<vmem>>, %arg5: memref<10240x1xf32, #tpu.memory_space<vmem>>) attributes {dimension_semantics = [], scalar_prefetch = 0 : i64, scratch_operands = 0 : i64, tpu.core_type = #tpu.core_type<tc>} {
    %get3A = arith.constant 0 : index
    %get3A_0 = arith.constant 0 : index
    %get3A_1 = memref.load %arg0[%get3A, %get3A_0] : memref<1x1xi32, #tpu.memory_space<smem>>
    %get3A_2 = arith.constant 0 : index
    %get3A_3 = arith.constant 0 : index
    %get3A_4 = vector.load %arg4[%get3A_2, %get3A_3] : memref<1x128xf32, #tpu.memory_space<vmem>>, vector<1x128xf32>
    %get3A_5 = arith.constant 0 : index
    %get3A_6 = arith.constant 0 : index
    %get3A_7 = vector.load %arg1[%get3A_5, %get3A_6] : memref<10240x128xf32, #tpu.memory_space<vmem>>, vector<10240x128xf32>
    %get3A_8 = arith.constant 0 : index
    %get3A_9 = arith.constant 0 : index
    %get3A_10 = vector.load %arg2[%get3A_8, %get3A_9] : memref<10240x128xf32, #tpu.memory_space<vmem>>, vector<10240x128xf32>
    %get3A_11 = arith.constant 0 : index
    %get3A_12 = arith.constant 0 : index
    %get3A_13 = vector.load %arg3[%get3A_11, %get3A_12] : memref<10240x128xf32, #tpu.memory_space<vmem>>, vector<10240x128xf32>
    %add3A = arith.addf %get3A_10, %get3A_13 : vector<10240x128xf32>
    %add3A_14 = vector.broadcast %get3A_4 : vector<1x128xf32> to vector<10240x128xf32>
    %add3A_15 = arith.addf %add3A, %add3A_14 : vector<10240x128xf32>
    %max3A = arith.constant 0.000000e+00 : f32
    %max3A_16 = vector.broadcast %max3A : f32 to vector<10240x128xf32>
    %max3A_17 = arith.maximumf %add3A_15, %max3A_16 : vector<10240x128xf32>
    %add3A_18 = arith.addf %get3A_7, %max3A_17 : vector<10240x128xf32>
    %get3A_19 = arith.index_cast %get3A_1 : i32 to index
    %get3A_20 = arith.constant 0 : index
    %get3A_21 = vector.load %arg1[%get3A_19, %get3A_20] : memref<10240x128xf32, #tpu.memory_space<vmem>>, vector<1x128xf32>
    %get3A_22 = arith.index_cast %get3A_1 : i32 to index
    %get3A_23 = arith.constant 0 : index
    %get3A_24 = vector.load %arg2[%get3A_22, %get3A_23] : memref<10240x128xf32, #tpu.memory_space<vmem>>, vector<1x128xf32>
    %get3A_25 = arith.index_cast %get3A_1 : i32 to index
    %get3A_26 = arith.constant 0 : index
    %get3A_27 = vector.load %arg3[%get3A_25, %get3A_26] : memref<10240x128xf32, #tpu.memory_space<vmem>>, vector<1x128xf32>
    %add3A_28 = arith.addf %get3A_24, %get3A_27 : vector<1x128xf32>
    %add3A_29 = arith.addf %add3A_28, %get3A_4 : vector<1x128xf32>
    %max3A_30 = arith.constant 0.000000e+00 : f32
    %max3A_31 = vector.broadcast %max3A_30 : f32 to vector<1x128xf32>
    %max3A_32 = arith.maximumf %add3A_29, %max3A_31 : vector<1x128xf32>
    %add3A_33 = arith.addf %get3A_21, %max3A_32 : vector<1x128xf32>
    %dot_general3A = arith.constant dense<0.000000e+00> : vector<10240x1xf32>
    %dot_general3A_34 = tpu.matmul %add3A_18, %add3A_33, %dot_general3A {dimension_numbers = #tpu.dot_dimension_numbers<[1], [1], [0], [0], [0, 0, 1, 0], [], []>, precision = #tpu.contract_precision<fp32>, transpose_lhs_hint = false} : vector<10240x128xf32>, vector<1x128xf32>, vector<10240x1xf32> -> vector<10240x1xf32>
    %swap3A = arith.constant 0 : index
    %swap3A_35 = arith.constant 0 : index
    %swap3A_36 = vector.load %arg5[%swap3A, %swap3A_35] : memref<10240x1xf32, #tpu.memory_space<vmem>>, vector<10240x1xf32>
    tpu.vector_store %arg5[%swap3A, %swap3A_35], %dot_general3A_34 {strides = array<i32>} : memref<10240x1xf32, #tpu.memory_space<vmem>>, vector<10240x1xf32>,
    return
  }
}

module attributes {stable_mosaic.version = 14 : i64} {
  func.func @_tc4_body(%arg0: memref<40x128xf32, #tpu.memory_space<vmem>>, %arg1: memref<40x128xi32, #tpu.memory_space<vmem>>, %arg2: memref<40x128xf32, #tpu.memory_space<vmem>>, %arg3: memref<40x128xf32, #tpu.memory_space<vmem>>, %arg4: memref<1x1xi32, #tpu.memory_space<smem>>) attributes {dimension_semantics = [], scalar_prefetch = 0 : i64, scratch_operands = 0 : i64, tpu.core_type = #tpu.core_type<tc>} {
    %sqrt3A = arith.constant 1.280000e+02 : f32
    %sqrt3A_0 = math.sqrt %sqrt3A : f32
    %div3A = arith.constant 1.000000e+00 : f32
    %div3A_1 = arith.divf %div3A, %sqrt3A_0 : f32
    %get3A = arith.constant 0 : index
    %get3A_2 = arith.constant 0 : index
    %get3A_3 = vector.load %arg1[%get3A, %get3A_2] : memref<40x128xi32, #tpu.memory_space<vmem>>, vector<40x128xi32>
    %ne3A = arith.constant 0 : i32
    %ne3A_4 = vector.broadcast %ne3A : i32 to vector<40x128xi32>
    %ne3A_5 = arith.cmpi ne, %get3A_3, %ne3A_4 : vector<40x128xi32>
    %get3A_6 = arith.constant 0 : index
    %get3A_7 = arith.constant 0 : index
    %get3A_8 = vector.load %arg0[%get3A_6, %get3A_7] : memref<40x128xf32, #tpu.memory_space<vmem>>, vector<40x128xf32>
    %mul3A = vector.broadcast %div3A_1 : f32 to vector<40x128xf32>
    %mul3A_9 = arith.mulf %get3A_8, %mul3A : vector<40x128xf32>
    %jit3A = arith.constant 0xFF800000 : f32
    %broadcast_in_dim3A = vector.broadcast %jit3A : f32 to vector<40x128xf32>
    %select_n3A = arith.select %ne3A_5, %broadcast_in_dim3A, %mul3A_9 : vector<40x128xi1>, vector<40x128xf32>
    %reduce_max3A = vector.shape_cast %select_n3A : vector<40x128xf32> to vector<1x40x128xf32>
    %reduce_max3A_10 = arith.constant dense<0xFF800000> : vector<1xf32>
    %reduce_max3A_11 = vector.multi_reduction <maximumf>, %reduce_max3A, %reduce_max3A_10 [1, 2] : vector<1x40x128xf32> to vector<1xf32>
    %reduce_max3A_12 = vector.shape_cast %reduce_max3A_11 : vector<1xf32> to vector<1x1x1xf32>
    %reduce_max3A_13 = vector.extract %reduce_max3A_12[0, 0, 0] : f32 from vector<1x1x1xf32>
    %sub3A = vector.broadcast %reduce_max3A_13 : f32 to vector<40x128xf32>
    %sub3A_14 = arith.subf %select_n3A, %sub3A : vector<40x128xf32>
    %exp3A = math.exp %sub3A_14 : vector<40x128xf32>
    %reduce_sum3A = vector.shape_cast %exp3A : vector<40x128xf32> to vector<1x40x128xf32>
    %reduce_sum3A_15 = arith.constant dense<0.000000e+00> : vector<1xf32>
    %reduce_sum3A_16 = vector.multi_reduction <add>, %reduce_sum3A, %reduce_sum3A_15 [1, 2] : vector<1x40x128xf32> to vector<1xf32>
    %reduce_sum3A_17 = vector.shape_cast %reduce_sum3A_16 : vector<1xf32> to vector<1x1x1xf32>
    %reduce_sum3A_18 = vector.extract %reduce_sum3A_17[0, 0, 0] : f32 from vector<1x1x1xf32>
    %div3A_19 = vector.broadcast %reduce_sum3A_18 : f32 to vector<40x128xf32>
    %div3A_20 = arith.divf %exp3A, %div3A_19 : vector<40x128xf32>
    %swap3A = arith.constant 0 : index
    %swap3A_21 = arith.constant 0 : index
    %swap3A_22 = vector.load %arg3[%swap3A, %swap3A_21] : memref<40x128xf32, #tpu.memory_space<vmem>>, vector<40x128xf32>
    tpu.vector_store %arg3[%swap3A, %swap3A_21], %div3A_20 {strides = array<i32>} : memref<40x128xf32, #tpu.memory_space<vmem>>, vector<40x128xf32>,
    %get3A_23 = arith.constant 0 : index
    %get3A_24 = arith.constant 0 : index
    %get3A_25 = vector.load %arg2[%get3A_23, %get3A_24] : memref<40x128xf32, #tpu.memory_space<vmem>>, vector<40x128xf32>
    %add3A = arith.addf %select_n3A, %get3A_25 : vector<40x128xf32>
    %reduce_max3A_26 = vector.shape_cast %add3A : vector<40x128xf32> to vector<1x40x128xf32>
    %reduce_max3A_27 = arith.constant dense<0xFF800000> : vector<1xf32>
    %reduce_max3A_28 = vector.multi_reduction <maximumf>, %reduce_max3A_26, %reduce_max3A_27 [1, 2] : vector<1x40x128xf32> to vector<1xf32>
    %reduce_max3A_29 = vector.shape_cast %reduce_max3A_28 : vector<1xf32> to vector<1x1x1xf32>
    %reduce_max3A_30 = vector.extract %reduce_max3A_29[0, 0, 0] : f32 from vector<1x1x1xf32>
    %iota3A = tpu.iota {dimensions = array<i32: 0>} : vector<40x128xi32>
    %iota3A_31 = tpu.iota {dimensions = array<i32: 1>} : vector<40x128xi32>
    %mul3A_32 = arith.constant 128 : i32
    %mul3A_33 = vector.broadcast %mul3A_32 : i32 to vector<40x128xi32>
    %mul3A_34 = arith.muli %iota3A, %mul3A_33 : vector<40x128xi32>
    %add3A_35 = arith.addi %mul3A_34, %iota3A_31 : vector<40x128xi32>
    %eq3A = vector.broadcast %reduce_max3A_30 : f32 to vector<40x128xf32>
    %eq3A_36 = arith.cmpf oeq, %add3A, %eq3A : vector<40x128xf32>
    %jit3A_37 = arith.constant 1073741824 : i32
    %broadcast_in_dim3A_38 = vector.broadcast %jit3A_37 : i32 to vector<40x128xi32>
    %select_n3A_39 = arith.select %eq3A_36, %add3A_35, %broadcast_in_dim3A_38 : vector<40x128xi1>, vector<40x128xi32>
    %reduce_min3A = vector.shape_cast %select_n3A_39 : vector<40x128xi32> to vector<1x40x128xi32>
    %reduce_min3A_40 = arith.constant dense<2147483647> : vector<1xi32>
    %reduce_min3A_41 = vector.multi_reduction <minsi>, %reduce_min3A, %reduce_min3A_40 [1, 2] : vector<1x40x128xi32> to vector<1xi32>
    %reduce_min3A_42 = vector.shape_cast %reduce_min3A_41 : vector<1xi32> to vector<1x1x1xi32>
    %reduce_min3A_43 = vector.extract %reduce_min3A_42[0, 0, 0] : i32 from vector<1x1x1xi32>
    %swap3A_44 = arith.constant 0 : index
    %swap3A_45 = arith.constant 0 : index
    %swap3A_46 = memref.load %arg4[%swap3A_44, %swap3A_45] : memref<1x1xi32, #tpu.memory_space<smem>>
    memref.store %reduce_min3A_43, %arg4[%swap3A_44, %swap3A_45] : memref<1x1xi32, #tpu.memory_space<smem>>
    return
  }
}

</mosaic_0001>

<sc_bundles>
// kernel: kernel.11.cloned.1.call-start
scs
__scs_entry_jumppad:
0x0: {  	(pc) =	sbr.rel $0x88, $3  }
0x1: {  	(tag) =	ssettag $0x0;
	lr =	simm.s32 $0x1  }
0x2: {  	[smem:$0x3F98] =	sst lr;
	_ =	strace $0xD0000000  }
0x3: {  	_ = 	snop  }
0x4: {  	_ = 	snop  }
0x5: {  	_ = 	snop  }
0x6: {  	_ = 	snop  }
0x7: {  	_ = 	snop  }
__scs_overlays_trampoline_lowered:
0x8: {  	[smem:$0x3FA7] =	sst s0  }
0x9: {  	[smem:$0x3FA8] =	sst s1  }
0xa: {  	[smem:$0x3FA9] =	sst s2  }
0xb: {  	[smem:$0x3FAA] =	sst s3  }
0xc: {  	[smem:$0x3FAB] =	sst s4  }
0xd: {  	[smem:$0x3FAC] =	sst s5  }
0xe: {  	[smem:$0x3FAD] =	sst s6  }
0xf: {  	[smem:$0x3FAE] =	sst s7  }
0x10: {  	[smem:$0x3FAF] =	sst s8  }
0x11: {  	[smem:$0x3FB0] =	sst s9;
	s0 =	simm.s32 @!p0 $0x0  }
0x12: {  	s1 =	sld [smem:$0x3F96];
	s0 =	simm.s32 @p0 $0x1  }
0x13: {  	[smem:$0x3FB1] =	sst s0;
	s0 =	simm.s32 @!p1 $0x0  }
0x14: {  	s2 =	sld [smem:$0x3F95];
	s0 =	simm.s32 @p1 $0x1  }
0x15: {  	[smem:$0x3FB2] =	sst s0;
	s0 =	simm.s32 @!p2 $0x0  }
0x16: {  	s3 =	sld [smem:$0x3FDB];
	s0 =	simm.s32 @p2 $0x1  }
0x17: {  	s4 =	simm.s32 $0x1BF5;
	[smem:$0x3FB4] =	sst s0  }
0x18: {  	s0 =	sld [smem:$0x3F97];
	_ =	swait.ge [sflag:s4], $0x0  }
0x19: {  	s7 =	sld [smem:$0x3F98]  }
0x1a: {  	s8 =	sadd.s32 $0xFFFFE003, lr  }
0x1b: {  	s9 =	sadd.s32 $0xFFFFFEF7, lr;
	s5 =	simm.s32 $0xFFFFFFFF;
	p2 =	slt.u32 s8, $0xFFFFF086  }
0x1c: {  	p1 =	slt.u32 s9, $0xF7A;
	s5 =	simm.s32 @!p2 $0x0  }
0x1d: {  	s5 =	simm.s32 @p1 $0x1;
	p0 =	seq.s32 s7, s2  }
0x1e: {  	s7 =	smul.u32 @!p0 $0xF7A, s2;
	p2 =	seq.s32 @!p0 s5, $0x0  }
0x1f: {  	s9 =	smul.u32 $0xF7A, s1;
	s8 =	simm.s32 @!p0 $0x1BF5;
	p2 =	por !p2, p0  }
0x20: {  	[sflag:s8] =	ssyncset.s32 @!p0 $0xFFFFF086;
	s6 =	sadd.s32 @!p0 s3, s7;
	s7 =	simm.s32 @!p0 $0x108  }
0x21: {  	s3 =	sadd.s32 s3, s9;
	s6 =	sadd.s32 @!p0 $0x88, s6;
	s7 =	simm.s32 @p2 $0x1082  }
0x22: {  	[simem:s7], [sflag:s8] =	dma.local @!p0 [hbm:s6], $0xF7A  }
0x23: {  	s9 =	sor.u32 $0xD0000000, s2;
	s6 =	simm.s32 $0x108;
	_ =	swait.ge @!p0 [sflag:s8], $0x0  }
0x24: {  	s3 =	sadd.s32 $0x88, s3;
	s6 =	simm.s32 @!p1 $0x1082;
	[sflag:s4] =	ssyncset.s32 $0xFFFFF086  }
0x25: {  	[simem:s6], [sflag:s4] =	dma.local [hbm:s3], $0xF7A  }
0x26: {  	[smem:$0x3F98] =	sst s1;
	(tag) =	ssettag s2;
	_ =	strace s9  }
0x27: {  	s1 =	sld [smem:$0x3FA8]  }
0x28: {  	s2 =	sld [smem:$0x3FA9]  }
0x29: {  	s4 =	sld [smem:$0x3FAB]  }
0x2a: {  	p0 =	seq.s32 s5, $0x0;
	s5 =	sld [smem:$0x3FAC]  }
0x2b: {  	s6 =	sld [smem:$0x3FAD]  }
0x2c: {  	s7 =	sld [smem:$0x3FAE]  }
0x2d: {  	s3 =	simm.s32 $0x108;
	s8 =	sld [smem:$0x3FAF]  }
0x2e: {  	s3 =	simm.s32 @!p0 $0x1082;
	s9 =	sld [smem:$0x3FB0]  }
0x2f: {  	lr =	sadd.s32 s0, s3;
	s0 =	sld [smem:$0x3FA7]  }
0x30: {  	s3 =	sld [smem:$0x3FAA]  }
0x31: {  	[smem:$0x3FB3] =	sst s10  }
0x32: {  	s10 =	sld [smem:$0x3FB1];
	_ =	sdelay $0x3  }
0x33: {  	p0 =	seq.s32 s10, $0x1;
	s10 =	sld [smem:$0x3FB3];
	_ =	sdelay $0x3  }
0x34: {  	[smem:$0x3FB3] =	sst s10  }
0x35: {  	s10 =	sld [smem:$0x3FB2];
	_ =	sdelay $0x3  }
0x36: {  	p1 =	seq.s32 s10, $0x1;
	s10 =	sld [smem:$0x3FB3];
	_ =	sdelay $0x3  }
0x37: {  	[smem:$0x3FB3] =	sst s10  }
0x38: {  	s10 =	sld [smem:$0x3FB4]  }
0x39: {  	_ = 	snop;
	(pc) =	sbr.ind lr, $3  }
0x3a: {  	_ = 	snop  }
0x3b: {  	_ = 	snop  }
0x3c: {  	p2 =	seq.s32 s10, $0x1;
	s10 =	sld [smem:$0x3FB3]  }
0x3d: {  	_ =	shalt  }
0x3e: {  	_ =	shalt  }
0x3f: {  	_ =	shalt  }
0x40: {  	_ =	shalt  }
0x41: {  	_ =	shalt  }
0x42: {  	_ =	shalt  }
0x43: {  	_ =	shalt  }
0x44: {  	_ =	shalt  }
0x45: {  	_ =	shalt  }
0x46: {  	_ =	shalt  }
0x47: {  	_ =	shalt  }
0x48: {  	_ =	shalt  }
0x49: {  	_ =	shalt  }
0x4a: {  	_ =	shalt  }
0x4b: {  	_ =	shalt  }
0x4c: {  	_ =	shalt  }
0x4d: {  	_ =	shalt  }
0x4e: {  	_ =	shalt  }
0x4f: {  	_ =	shalt  }
0x50: {  	_ =	shalt  }
0x51: {  	_ =	shalt  }
0x52: {  	_ =	shalt  }
0x53: {  	_ =	shalt  }
0x54: {  	_ =	shalt  }
0x55: {  	_ =	shalt  }
0x56: {  	_ =	shalt  }
0x57: {  	_ =	shalt  }
0x58: {  	_ =	shalt  }
0x59: {  	_ =	shalt  }
0x5a: {  	_ =	shalt  }
0x5b: {  	_ =	shalt  }
0x5c: {  	_ =	shalt  }
0x5d: {  	_ =	shalt  }
0x5e: {  	_ =	shalt  }
0x5f: {  	_ =	shalt  }
0x60: {  	_ =	shalt  }
0x61: {  	_ =	shalt  }
0x62: {  	_ =	shalt  }
0x63: {  	_ =	shalt  }
0x64: {  	_ =	shalt  }
0x65: {  	_ =	shalt  }
0x66: {  	_ =	shalt  }
0x67: {  	_ =	shalt  }
0x68: {  	_ =	shalt  }
0x69: {  	_ =	shalt  }
0x6a: {  	_ =	shalt  }
0x6b: {  	_ =	shalt  }
0x6c: {  	_ =	shalt  }
0x6d: {  	_ =	shalt  }
0x6e: {  	_ =	shalt  }
0x6f: {  	_ =	shalt  }
0x70: {  	_ =	shalt  }
0x71: {  	_ =	shalt  }
0x72: {  	_ =	shalt  }
0x73: {  	_ =	shalt  }
0x74: {  	_ =	shalt  }
0x75: {  	_ =	shalt  }
0x76: {  	_ =	shalt  }
0x77: {  	_ =	shalt  }
0x78: {  	_ =	shalt  }
0x79: {  	_ =	shalt  }
0x7a: {  	_ =	shalt  }
0x7b: {  	_ =	shalt  }
0x7c: {  	_ =	shalt  }
0x7d: {  	_ =	shalt  }
0x7e: {  	_ =	shalt  }
0x7f: {  	_ =	shalt  }
0x80: {  	_ =	shalt  }
0x81: {  	_ =	shalt  }
0x82: {  	_ =	shalt  }
0x83: {  	_ =	shalt  }
0x84: {  	_ =	shalt  }
0x85: {  	_ =	shalt  }
0x86: {  	_ =	shalt  }
0x87: {  	_ =	shalt  }
.Lfunc_end0:
.L_simem_size_0:
called_computation_lowered:
.L_overlay_start_0:
0x88: {  	s2 =	sld [smem:$0x3FD9]  }
0x89: {  	s3 =	sld [smem:$0x3FFE];
	_ =	sdelay $0x1  }
0x8a: {  	s1 =	srdreg.scid  }
0x8b: {  	s0 =	sand.u32 $0x1, s1  }
0x8c: {  	s16 =	sshll.u32 s0, $0xA;
	s2 =	sadd.s32 s3, s2  }
0x8d: {  	s2 =	sadd.s32 s2, s16  }
0x8e: {  	[smem:$0x3FBF] =	sst s2  }
0x8f: {  	_ = 	snop  }
0x90: {  	(tm) =	ssettm $0x1  }
0x91: {  	s17 =	sld [smem:$0x3FFB];
	_ =	sdelay $0x3  }
0x92: {  	_ =	strace s17  }
0x93: {  	s2 =	sld [smem:$0x3FFC];
	_ =	sdelay $0x3  }
0x94: {  	_ =	strace s2  }
0x95: {  	s2 =	sld [smem:$0x3FFD];
	_ =	sdelay $0x3  }
0x96: {  	_ =	strace s2  }
0x97: {  	_ =	strace $0x8FFFFFFF  }
0x98: {  	s18 =	sld [smem:$0x3FDB];
	_ =	sdelay $0x1  }
0x99: {  	s19 =	simm.s32 $_scs_section_size  }
0x9a: {  	s4 =	simm.s32 $_size__tile_overlayer_lowered;
	s5 =	simm.s32 $_tile_overlayer_lowered  }
0x9b: {  	s22 =	simm.s32 $0x1BFF;
	s21 =	sshll.u32 s5, $0x1;
	s2 =	sadd.s32 s19, s18  }
0x9c: {  	s6 =	simm.s32 $0x0;
	s20 =	sshll.u32 s4, $0x1;
	s4 =	sadd.s32 s21, s2  }
0x9d: {  	[timem:s6], [sflag:s22] =	dma.local [hbm:s4], s20  }
0x9e: {  	_ =	swait.ge [sflag:s22], s20  }
0x9f: {  	s3 =	ssub.s32 $0x0, s20;
	[sflag:s22] =	ssyncset.done $0x0  }
0xa0: {  	[sflag:s22] =	ssyncadd.s32 s3;
	_ =	sdelay $0x1  }
0xa1: {  	s23 =	simm.s32 $0x1B8B  }
0xa2: {  	_ =	swait.ge [sflag:s23], $0x1  }
0xa3: {  	[sflag:s23] =	ssyncset.done $0x0  }
0xa4: {  	s25 =	simm.s32 $0x1B8E;
	s24 =	sld [smem:$0x3FFE];
	[sflag:s23] =	ssyncadd.s32 $0xFFFFFFFF  }
0xa5: {  	s26 =	simm.s32 $execute0_lowered;
	[smem:$0x3FD2] =	sst s25  }
0xa6: {  	s4 =	sshll.u32 s26, $0x1;
	_ =	strace $0x80000046;
	[dreg:$0x1] =	wrdreg $0xFFFFFFFF  }
0xa7: {  	s28 =	simm.s32 $_size_execute0_lowered;
	s2 =	sadd.s32 s2, s4;
	[dreg:$0x0] =	wrdreg $0x0  }
0xa8: {  	s4 =	sshll.u32 s28, $0x1;
	[dreg:$0x2] =	wrdreg s2  }
0xa9: {  	[dreg:$0x3] =	wrdreg s4  }
0xaa: {  	[dreg:$0x4] =	wrdreg $0xC0  }
0xab: {  	_ =	task [dreg:s6], $0x5FFFF  }
0xac: {  	[dreg:$0x1] =	wrdreg $0xFFFFFFFF  }
0xad: {  	[dreg:$0x0] =	wrdreg $0x60  }
0xae: {  	[dreg:$0x2] =	wrdreg s24  }
0xaf: {  	[dreg:$0x3] =	wrdreg $0xC0000  }
0xb0: {  	[dreg:$0x4] =	wrdreg $0x9  }
0xb1: {  	_ =	task.clear_ibuf [dreg:s6], $0x5FFFF;
	_ =	strace $0x90000046  }
0xb2: {  	s29 =	simm.s32 $0x9;
	_ =	strace $0x80000048  }
0xb3: {  	_ =	swait.ge [sflag:s29], $0x1  }
0xb4: {  	[sflag:s29] =	ssyncadd.s32 $0xFFFFFFFF  }
0xb5: {  	_ =	strace $0x90000048  }
0xb6: {  	_ =	sfence  }
0xb7: {  	s30 =	sld [smem:$0x0];
	_ =	sdelay $0x2  }
0xb8: {  	s31 =	sshll.u32 s1, $0xD;
	s1 =	sshrl.u32 s1, $0x2  }
0xb9: {  	s3 =	sand.u32 $0x4000, s31;
	s1 =	sadd.s32 s1, s30  }
0xba: {  	s0 =	sor.u32 s3, s0;
	s1 =	sshll.u32 s1, $0x11  }
0xbb: {  	s0 =	sor.u32 s1, s0  }
0xbc: {  	s0 =	sadd.s32 $0x8F2B, s0  }
0xbd: {  	[sflag:s0] =	ssyncadd.remote.s32 $0x1  }
0xbe: {  	_ =	sfence.sel $0xFFFF  }
0xbf: {  	[dreg:$0x0] =	wrdreg $0xFFFFFFFF;
	(pc) =	sbr.abs _section_cstart, $3  }
0xc0: {  	[dreg:$0x1] =	wrdreg $0xFFFFFFFF  }
0xc1: {  	_ =	task.clear_ibuf [dreg:s6], $0x2FFFF;
	_ =	strace $0x9FFFFFFF  }
0xc2: {  	(tm) =	ssettm $0x7FFFFFFF  }
0xc3: {  	_ =	shalt  }
tec
execute0_lowered:
.L_overlay_start_1:
0x0: {  	(tag) =	ssettag $0x1  }
0x1: {  	s0 =	srdreg.scid;
	s5 =	rddreg [dreg:$0x0]  }
0x2: {  	s2 =	rddreg [dreg:$0x1];
	s1 =	stileid.u32;
	s3 =	simm.s32 $0x0  }
0x3: {  	s16 =	simm.s32 $0xA000;
	s17 =	simm.s32 $0x1;
	s18 =	simm.s32 $0x5000  }
0x4: {  	s4 =	sand.u32 $0x1, s0;
	s0 =	rddreg [dreg:$0x2];
	s10 =	smul.u32 $0x50000, s1  }
0x5: {  	[smem:$0x7FF] =	sst s3;
	s20 =	smul.u32 $0x2800, s1;
	s21 =	sshll.u32 s1, $0x6  }
0x6: {  	s6 =	sshll.u32 s4, $0x4;
	_ =	strace $0x80000047;
	s7 =	smul.u32 $0x28000, s4  }
0x7: {  	s8 =	ssub.s32 $0x2, s4;
	s4 =	sadd.s32 $0x2A800, s5;
	s21 =	sor.u32 $0x1C01, s21  }
0x8: {  	s6 =	sor.u32 s1, s6;
	s9 =	sshrl.u32 s8, $0x1;
	s31 =	sshrl.u32 s10, $0x2  }
0x9: {  	s6 =	smul.u32 $0xA00, s6;
	s7 =	sadd.s32 s7, s5;
	s8 =	ssub.s32 s8, s9  }
0xa: {  	s19 =	sadd.s32 $0x52800, s7;
	s7 =	sadd.s32 s31, s2;
	s8 =	smax.u32 s8, $0x1  }
0xb: {  	s6 =	sadd.s32 s6, s5;
	s9 =	sadd.s32 $0x2800, s7;
	s10 =	sadd.s32 $0x5000, s7  }
0xc: {  	s11 =	sadd.s32 $0x7800, s7;
	s12 =	sadd.s32 $0xA000, s7;
	s13 =	sadd.s32 $0xC800, s7  }
0xd: {  	s14 =	sadd.s32 $0xF000, s7;
	s15 =	sadd.s32 $0x11800, s7;
	s19 =	sadd.s32 s20, s19  }
0xe: {  	v0 =	vimm.f32 $0.0e+00;
	s20 =	simm.s32 $0x40;
	s5 =	sadd.s32 $0x2800, s6;
	s6 =	sadd.s32 $0x16800, s6  }
.LBB2_1:
0xf: {  	s22 =	simm.s32 $0x0;
	s23 =	simm.s32 $0x200  }
.LBB2_2:
0x10: {  	p0 =	sne.s32 s23, $0x7E00;
	[tilespmem:s22+$0xA070] =	vst v0  }
0x11: {  	[tilespmem:s22+$0xA000] =	vst v0  }
0x12: {  	[tilespmem:s22+$0xA010] =	vst v0  }
.Ltmp0:
0x13: {  	[tilespmem:s22+$0xA020] =	vst v0;
	(pc) =	sbr.rel @p0 .LBB2_2-.Ltmp0, $4  }
0x14: {  	[tilespmem:s22+$0xA030] =	vst v0  }
0x15: {  	[tilespmem:s22+$0xA040] =	vst v0  }
0x16: {  	[tilespmem:s22+$0xA050] =	vst v0  }
0x17: {  	[tilespmem:s22+$0xA060] =	vst v0;
	s22 =	sshra.s32 s23, $0x2;
	s23 =	sadd.s32 $0x200, s23  }
0x18: {  	[tilespmem:s22+$0xA070] =	vst v0  }
0x19: {  	[tilespmem:s22+$0xA000] =	vst v0  }
0x1a: {  	[tilespmem:s22+$0xA010] =	vst v0  }
0x1b: {  	[tilespmem:s22+$0xA020] =	vst v0  }
0x1c: {  	[tilespmem:s22+$0xA030] =	vst v0  }
0x1d: {  	[tilespmem:s22+$0xA040] =	vst v0  }
0x1e: {  	[tilespmem:s22+$0xA050] =	vst v0  }
0x1f: {  	[tilespmem:s22+$0xA060] =	vst v0  }
0x20: {  	[spmem:s7] =	stream.linear.scatter [tilespmem:s16], [sflag:$0x1], $0x2800, $0x38;
	v63 =	vld [tilespmem:$0x0]  }
0x21: {  	_ =	swait.ge [sflag:s17], $0x2800  }
0x22: {  	[sflag:s17] =	ssyncset.done $0x0  }
0x23: {  	[sflag:s17] =	ssyncadd.s32 $0xFFFFD800  }
0x24: {  	[spmem:s9] =	stream.linear.scatter [tilespmem:s16], [sflag:$0x1], $0x2800, $0x38;
	v63 =	vld [tilespmem:$0x0]  }
0x25: {  	_ =	swait.ge [sflag:s17], $0x2800  }
0x26: {  	[sflag:s17] =	ssyncset.done $0x0  }
0x27: {  	[sflag:s17] =	ssyncadd.s32 $0xFFFFD800  }
0x28: {  	[spmem:s10] =	stream.linear.scatter [tilespmem:s16], [sflag:$0x1], $0x2800, $0x38;
	v63 =	vld [tilespmem:$0x0]  }
0x29: {  	_ =	swait.ge [sflag:s17], $0x2800  }
0x2a: {  	[sflag:s17] =	ssyncset.done $0x0  }
0x2b: {  	[sflag:s17] =	ssyncadd.s32 $0xFFFFD800  }
0x2c: {  	[spmem:s11] =	stream.linear.scatter [tilespmem:s16], [sflag:$0x1], $0x2800, $0x38;
	v63 =	vld [tilespmem:$0x0]  }
0x2d: {  	_ =	swait.ge [sflag:s17], $0x2800  }
0x2e: {  	[sflag:s17] =	ssyncset.done $0x0  }
0x2f: {  	[sflag:s17] =	ssyncadd.s32 $0xFFFFD800  }
0x30: {  	[spmem:s12] =	stream.linear.scatter [tilespmem:s16], [sflag:$0x1], $0x2800, $0x38;
	v63 =	vld [tilespmem:$0x0]  }
0x31: {  	_ =	swait.ge [sflag:s17], $0x2800  }
0x32: {  	[sflag:s17] =	ssyncset.done $0x0  }
0x33: {  	[sflag:s17] =	ssyncadd.s32 $0xFFFFD800  }
0x34: {  	[spmem:s13] =	stream.linear.scatter [tilespmem:s16], [sflag:$0x1], $0x2800, $0x38;
	v63 =	vld [tilespmem:$0x0]  }
0x35: {  	_ =	swait.ge [sflag:s17], $0x2800  }
0x36: {  	[sflag:s17] =	ssyncset.done $0x0  }
0x37: {  	[sflag:s17] =	ssyncadd.s32 $0xFFFFD800  }
0x38: {  	[spmem:s14] =	stream.linear.scatter [tilespmem:s16], [sflag:$0x1], $0x2800, $0x38;
	v63 =	vld [tilespmem:$0x0]  }
0x39: {  	_ =	swait.ge [sflag:s17], $0x2800  }
0x3a: {  	[sflag:s17] =	ssyncset.done $0x0  }
0x3b: {  	[sflag:s17] =	ssyncadd.s32 $0xFFFFD800  }
0x3c: {  	[spmem:s15] =	stream.linear.scatter [tilespmem:s16], [sflag:$0x1], $0x2800, $0x38;
	v63 =	vld [tilespmem:$0x0]  }
0x3d: {  	_ =	swait.ge [sflag:s17], $0x2800  }
0x3e: {  	[sflag:s17] =	ssyncset.done $0x0  }
0x3f: {  	[sflag:s17] =	ssyncadd.s32 $0xFFFFD800  }
0x40: {  	s29 =	simm.s32 $0x0;
	[bflag:$0x0] =	sbarrier.arrive $0xFFFF  }
0x41: {  	[tilespmem:s29], [sflag:$0x1] =	stream.linear.gather [hbm4b:s5+s29], $0x5000, $0x38;
	v63 =	vld [tilespmem:$0x0]  }
0x42: {  	_ =	swait.ge [sflag:s17], $0x5000  }
0x43: {  	[sflag:s17] =	ssyncset.done $0x0  }
0x44: {  	[sflag:s17] =	ssyncadd.s32 $0xFFFFB000  }
0x45: {  	[tilespmem:s18], [sflag:$0x1] =	stream.linear.gather [hbm4b:s6+s29], $0x5000, $0x38;
	v63 =	vld [tilespmem:$0x0]  }
0x46: {  	_ =	swait.ge [sflag:s17], $0x5000  }
0x47: {  	[sflag:s17] =	ssyncset.done $0x0  }
0x48: {  	s30 =	simm.s32 $0x0;
	[sflag:s17] =	ssyncadd.s32 $0xFFFFB000  }
0x49: {  	[tilespmem:s16], [sflag:$0x1] =	stream.indirect.gather [hbm4b:s4+s20], $0x80, s30, s20, $0xb8;
	v63 =	vld [tilespmem:$0x0]  }
0x4a: {  	_ =	swait.ge [sflag:s17], $0x2000  }
0x4b: {  	[sflag:s17] =	ssyncset.done $0x0  }
0x4c: {  	s31 =	simm.s32 $0x5000;
	[sflag:s17] =	ssyncadd.s32 $0xFFFFE000  }
0x4d: {  	[spmem:s2] =	stream.indirect.scatter.add.f32 [tilespmem:s16], [sflag:$0x1], $0x80, s31, s20, $0xb8;
	v63 =	vld [tilespmem:$0x0]  }
0x4e: {  	_ =	swait.ge [sflag:s17], $0x2000  }
0x4f: {  	s22 =	simm.s32 $0x200;
	s23 =	simm.s32 $0x400;
	[sflag:s17] =	ssyncset.done $0x0  }
.LBB2_4:
0x50: {  	s24 =	sshra.s32 s22, $0x2  }
0x51: {  	[sflag:s17] =	ssyncadd.s32 $0xFFFFE000;
	s22 =	smov.u32 s23;
	s25 =	sadd.s32 $0x200, s23  }
0x52: {  	[tilespmem:s16], [sflag:$0x1] =	stream.indirect.gather [hbm4b:s4+s20], $0x80, s24, s20, $0xb8;
	v63 =	vld [tilespmem:$0x0]  }
0x53: {  	p0 =	sne.s32 s23, $0x13E00;
	_ =	swait.ge [sflag:s17], $0x2000  }
.Ltmp1:
0x54: {  	[sflag:s17] =	ssyncset.done $0x0;
	(pc) =	sbr.rel @p0 .LBB2_4-.Ltmp1, $4  }
0x55: {  	s23 =	sadd.s32 $0x5000, s24;
	[sflag:s17] =	ssyncadd.s32 $0xFFFFE000  }
0x56: {  	[spmem:s2] =	stream.indirect.scatter.add.f32 [tilespmem:s16], [sflag:$0x1], $0x80, s23, s20, $0xb8;
	v63 =	vld [tilespmem:$0x0]  }
0x57: {  	_ =	swait.ge [sflag:s17], $0x2000  }
0x58: {  	s23 =	smov.u32 s25;
	[sflag:s17] =	ssyncset.done $0x0  }
0x59: {  	s22 =	sshra.s32 s22, $0x2;
	[sflag:s17] =	ssyncadd.s32 $0xFFFFE000  }
0x5a: {  	[tilespmem:s16], [sflag:$0x1] =	stream.indirect.gather [hbm4b:s4+s20], $0x80, s22, s20, $0xb8;
	v63 =	vld [tilespmem:$0x0]  }
0x5b: {  	_ =	swait.ge [sflag:s17], $0x2000  }
0x5c: {  	[sflag:s17] =	ssyncset.done $0x0  }
0x5d: {  	s22 =	sadd.s32 $0x5000, s22;
	[sflag:s17] =	ssyncadd.s32 $0xFFFFE000  }
0x5e: {  	[spmem:s2] =	stream.indirect.scatter.add.f32 [tilespmem:s16], [sflag:$0x1], $0x80, s22, s20, $0xb8;
	v63 =	vld [tilespmem:$0x0]  }
0x5f: {  	_ =	swait.ge [sflag:s17], $0x2000  }
0x60: {  	s3 =	sadd.s32 $0x1, s3;
	[sflag:s17] =	ssyncset.done $0x0  }
0x61: {  	p0 =	sne.s32 s3, s8;
	[sflag:s17] =	ssyncadd.s32 $0xFFFFE000  }
.Ltmp2:
0x62: {  	s31 =	sshrl.u32 s7, $0x3;
	[bflag:$0x0] =	sbarrier.arrive $0xFFFF;
	(pc) =	sbr.rel @p0 .LBB2_1-.Ltmp2, $4  }
0x63: {  	[hbm:s19], [sflag:s21] =	dma.local [spmem:s31], $0x2800  }
0x64: {  	_ =	swait.ge [sflag:s17], $0x2800  }
0x65: {  	[sflag:s17] =	ssyncset.done $0x0  }
0x66: {  	[sflag:s17] =	ssyncadd.s32 $0xFFFFD800  }
0x67: {  	_ =	sfence.sel $0x180000  }
0x68: {  	[bflag:$0x0] =	sbarrier.arrive $0xFFFF  }
0x69: {  	p0 =	sne.s32 s1, $0x0;
	_ =	strace $0x90000047  }
0x6a: {  	s0 =	sadd.s32 @!p0 $0x100000, s0;
	[bflag:$0x2] =	sbarrier.arrive $0xFFFF  }
0x6b: {  	[sflag:s0] =	ssyncadd.tile.s32 @!p0 $0x1;
	_ =	shalt  }
.Lfunc_end2:
_tile_overlayer_lowered:
.L_overlay_start_2:
0x6c: {  	(tag) =	ssettag $0x2  }
0x6d: {  	s0 =	rddreg [dreg:$0x0];
	s2 =	stileid.u32  }
0x6e: {  	s1 =	rddreg [dreg:$0x1];
	p0 =	sne.s32 s2, $0x0  }
0x6f: {  	s3 =	rddreg [dreg:$0x2];
	[bflag:$0x3] =	sbarrier.arrive $0xFFFF;
	s2 =	simm.s32 @!p0 $0x1C01  }
0x70: {  	[timem:s3], [sflag:s2] =	dma.local @!p0 [hbm:s0], s1  }
0x71: {  	s0 =	simm.s32 @!p0 $0x1  }
0x72: {  	_ =	swait.ge @!p0 [sflag:s0], s1  }
0x73: {  	s1 =	ssub.s32 @!p0 $0x0, s1;
	[sflag:s0] =	ssyncset.done @!p0 $0x0  }
0x74: {  	[sflag:s0] =	ssyncadd.s32 @!p0 s1  }
0x75: {  	[bflag:$0x3] =	sbarrier.arrive $0xFFFF  }
0x76: {  	_ =	shalt  }

// kernel: kernel.14.cloned.1.call-start
scs
__scs_entry_jumppad:
0x0: {  	(pc) =	sbr.rel $0x88, $3  }
0x1: {  	(tag) =	ssettag $0x0;
	lr =	simm.s32 $0x1  }
0x2: {  	[smem:$0x3F98] =	sst lr;
	_ =	strace $0xD0000000  }
0x3: {  	_ = 	snop  }
0x4: {  	_ = 	snop  }
0x5: {  	_ = 	snop  }
0x6: {  	_ = 	snop  }
0x7: {  	_ = 	snop  }
__scs_overlays_trampoline_lowered:
0x8: {  	[smem:$0x3FA7] =	sst s0  }
0x9: {  	[smem:$0x3FA8] =	sst s1  }
0xa: {  	[smem:$0x3FA9] =	sst s2  }
0xb: {  	[smem:$0x3FAA] =	sst s3  }
0xc: {  	[smem:$0x3FAB] =	sst s4  }
0xd: {  	[smem:$0x3FAC] =	sst s5  }
0xe: {  	[smem:$0x3FAD] =	sst s6  }
0xf: {  	[smem:$0x3FAE] =	sst s7  }
0x10: {  	[smem:$0x3FAF] =	sst s8  }
0x11: {  	[smem:$0x3FB0] =	sst s9;
	s0 =	simm.s32 @!p0 $0x0  }
0x12: {  	s1 =	sld [smem:$0x3F96];
	s0 =	simm.s32 @p0 $0x1  }
0x13: {  	[smem:$0x3FB1] =	sst s0;
	s0 =	simm.s32 @!p1 $0x0  }
0x14: {  	s2 =	sld [smem:$0x3F95];
	s0 =	simm.s32 @p1 $0x1  }
0x15: {  	[smem:$0x3FB2] =	sst s0;
	s0 =	simm.s32 @!p2 $0x0  }
0x16: {  	s3 =	sld [smem:$0x3FDB];
	s0 =	simm.s32 @p2 $0x1  }
0x17: {  	s4 =	simm.s32 $0x1BF5;
	[smem:$0x3FB4] =	sst s0  }
0x18: {  	s0 =	sld [smem:$0x3F97];
	_ =	swait.ge [sflag:s4], $0x0  }
0x19: {  	s7 =	sld [smem:$0x3F98]  }
0x1a: {  	s8 =	sadd.s32 $0xFFFFE003, lr  }
0x1b: {  	s9 =	sadd.s32 $0xFFFFFEF7, lr;
	s5 =	simm.s32 $0xFFFFFFFF;
	p2 =	slt.u32 s8, $0xFFFFF086  }
0x1c: {  	p1 =	slt.u32 s9, $0xF7A;
	s5 =	simm.s32 @!p2 $0x0  }
0x1d: {  	s5 =	simm.s32 @p1 $0x1;
	p0 =	seq.s32 s7, s2  }
0x1e: {  	s7 =	smul.u32 @!p0 $0xF7A, s2;
	p2 =	seq.s32 @!p0 s5, $0x0  }
0x1f: {  	s9 =	smul.u32 $0xF7A, s1;
	s8 =	simm.s32 @!p0 $0x1BF5;
	p2 =	por !p2, p0  }
0x20: {  	[sflag:s8] =	ssyncset.s32 @!p0 $0xFFFFF086;
	s6 =	sadd.s32 @!p0 s3, s7;
	s7 =	simm.s32 @!p0 $0x108  }
0x21: {  	s3 =	sadd.s32 s3, s9;
	s6 =	sadd.s32 @!p0 $0x88, s6;
	s7 =	simm.s32 @p2 $0x1082  }
0x22: {  	[simem:s7], [sflag:s8] =	dma.local @!p0 [hbm:s6], $0xF7A  }
0x23: {  	s9 =	sor.u32 $0xD0000000, s2;
	s6 =	simm.s32 $0x108;
	_ =	swait.ge @!p0 [sflag:s8], $0x0  }
0x24: {  	s3 =	sadd.s32 $0x88, s3;
	s6 =	simm.s32 @!p1 $0x1082;
	[sflag:s4] =	ssyncset.s32 $0xFFFFF086  }
0x25: {  	[simem:s6], [sflag:s4] =	dma.local [hbm:s3], $0xF7A  }
0x26: {  	[smem:$0x3F98] =	sst s1;
	(tag) =	ssettag s2;
	_ =	strace s9  }
0x27: {  	s1 =	sld [smem:$0x3FA8]  }
0x28: {  	s2 =	sld [smem:$0x3FA9]  }
0x29: {  	s4 =	sld [smem:$0x3FAB]  }
0x2a: {  	p0 =	seq.s32 s5, $0x0;
	s5 =	sld [smem:$0x3FAC]  }
0x2b: {  	s6 =	sld [smem:$0x3FAD]  }
0x2c: {  	s7 =	sld [smem:$0x3FAE]  }
0x2d: {  	s3 =	simm.s32 $0x108;
	s8 =	sld [smem:$0x3FAF]  }
0x2e: {  	s3 =	simm.s32 @!p0 $0x1082;
	s9 =	sld [smem:$0x3FB0]  }
0x2f: {  	lr =	sadd.s32 s0, s3;
	s0 =	sld [smem:$0x3FA7]  }
0x30: {  	s3 =	sld [smem:$0x3FAA]  }
0x31: {  	[smem:$0x3FB3] =	sst s10  }
0x32: {  	s10 =	sld [smem:$0x3FB1];
	_ =	sdelay $0x3  }
0x33: {  	p0 =	seq.s32 s10, $0x1;
	s10 =	sld [smem:$0x3FB3];
	_ =	sdelay $0x3  }
0x34: {  	[smem:$0x3FB3] =	sst s10  }
0x35: {  	s10 =	sld [smem:$0x3FB2];
	_ =	sdelay $0x3  }
0x36: {  	p1 =	seq.s32 s10, $0x1;
	s10 =	sld [smem:$0x3FB3];
	_ =	sdelay $0x3  }
0x37: {  	[smem:$0x3FB3] =	sst s10  }
0x38: {  	s10 =	sld [smem:$0x3FB4]  }
0x39: {  	_ = 	snop;
	(pc) =	sbr.ind lr, $3  }
0x3a: {  	_ = 	snop  }
0x3b: {  	_ = 	snop  }
0x3c: {  	p2 =	seq.s32 s10, $0x1;
	s10 =	sld [smem:$0x3FB3]  }
0x3d: {  	_ =	shalt  }
0x3e: {  	_ =	shalt  }
0x3f: {  	_ =	shalt  }
0x40: {  	_ =	shalt  }
0x41: {  	_ =	shalt  }
0x42: {  	_ =	shalt  }
0x43: {  	_ =	shalt  }
0x44: {  	_ =	shalt  }
0x45: {  	_ =	shalt  }
0x46: {  	_ =	shalt  }
0x47: {  	_ =	shalt  }
0x48: {  	_ =	shalt  }
0x49: {  	_ =	shalt  }
0x4a: {  	_ =	shalt  }
0x4b: {  	_ =	shalt  }
0x4c: {  	_ =	shalt  }
0x4d: {  	_ =	shalt  }
0x4e: {  	_ =	shalt  }
0x4f: {  	_ =	shalt  }
0x50: {  	_ =	shalt  }
0x51: {  	_ =	shalt  }
0x52: {  	_ =	shalt  }
0x53: {  	_ =	shalt  }
0x54: {  	_ =	shalt  }
0x55: {  	_ =	shalt  }
0x56: {  	_ =	shalt  }
0x57: {  	_ =	shalt  }
0x58: {  	_ =	shalt  }
0x59: {  	_ =	shalt  }
0x5a: {  	_ =	shalt  }
0x5b: {  	_ =	shalt  }
0x5c: {  	_ =	shalt  }
0x5d: {  	_ =	shalt  }
0x5e: {  	_ =	shalt  }
0x5f: {  	_ =	shalt  }
0x60: {  	_ =	shalt  }
0x61: {  	_ =	shalt  }
0x62: {  	_ =	shalt  }
0x63: {  	_ =	shalt  }
0x64: {  	_ =	shalt  }
0x65: {  	_ =	shalt  }
0x66: {  	_ =	shalt  }
0x67: {  	_ =	shalt  }
0x68: {  	_ =	shalt  }
0x69: {  	_ =	shalt  }
0x6a: {  	_ =	shalt  }
0x6b: {  	_ =	shalt  }
0x6c: {  	_ =	shalt  }
0x6d: {  	_ =	shalt  }
0x6e: {  	_ =	shalt  }
0x6f: {  	_ =	shalt  }
0x70: {  	_ =	shalt  }
0x71: {  	_ =	shalt  }
0x72: {  	_ =	shalt  }
0x73: {  	_ =	shalt  }
0x74: {  	_ =	shalt  }
0x75: {  	_ =	shalt  }
0x76: {  	_ =	shalt  }
0x77: {  	_ =	shalt  }
0x78: {  	_ =	shalt  }
0x79: {  	_ =	shalt  }
0x7a: {  	_ =	shalt  }
0x7b: {  	_ =	shalt  }
0x7c: {  	_ =	shalt  }
0x7d: {  	_ =	shalt  }
0x7e: {  	_ =	shalt  }
0x7f: {  	_ =	shalt  }
0x80: {  	_ =	shalt  }
0x81: {  	_ =	shalt  }
0x82: {  	_ =	shalt  }
0x83: {  	_ =	shalt  }
0x84: {  	_ =	shalt  }
0x85: {  	_ =	shalt  }
0x86: {  	_ =	shalt  }
0x87: {  	_ =	shalt  }
.Lfunc_end0:
.L_simem_size_0:
called_computation.1_lowered:
.L_overlay_start_0:
0x88: {  	s2 =	sld [smem:$0x3FD9]  }
0x89: {  	s3 =	sld [smem:$0x3FFE];
	_ =	sdelay $0x1  }
0x8a: {  	s1 =	srdreg.scid  }
0x8b: {  	s0 =	sand.u32 $0x1, s1  }
0x8c: {  	s16 =	sshll.u32 s0, $0xA;
	s2 =	sadd.s32 s3, s2  }
0x8d: {  	s2 =	sadd.s32 s2, s16  }
0x8e: {  	[smem:$0x3FBF] =	sst s2  }
0x8f: {  	_ = 	snop  }
0x90: {  	(tm) =	ssettm $0x1  }
0x91: {  	s17 =	sld [smem:$0x3FFB];
	_ =	sdelay $0x3  }
0x92: {  	_ =	strace s17  }
0x93: {  	s2 =	sld [smem:$0x3FFC];
	_ =	sdelay $0x3  }
0x94: {  	_ =	strace s2  }
0x95: {  	s2 =	sld [smem:$0x3FFD];
	_ =	sdelay $0x3  }
0x96: {  	_ =	strace s2  }
0x97: {  	_ =	strace $0x8FFFFFFF  }
0x98: {  	s18 =	sld [smem:$0x3FDB];
	_ =	sdelay $0x1  }
0x99: {  	s19 =	simm.s32 $_scs_section_size  }
0x9a: {  	s4 =	simm.s32 $_size__tile_overlayer_lowered;
	s5 =	simm.s32 $_tile_overlayer_lowered  }
0x9b: {  	s22 =	simm.s32 $0x1BFF;
	s21 =	sshll.u32 s5, $0x1;
	s2 =	sadd.s32 s19, s18  }
0x9c: {  	s6 =	simm.s32 $0x0;
	s20 =	sshll.u32 s4, $0x1;
	s4 =	sadd.s32 s21, s2  }
0x9d: {  	[timem:s6], [sflag:s22] =	dma.local [hbm:s4], s20  }
0x9e: {  	_ =	swait.ge [sflag:s22], s20  }
0x9f: {  	s3 =	ssub.s32 $0x0, s20;
	[sflag:s22] =	ssyncset.done $0x0  }
0xa0: {  	[sflag:s22] =	ssyncadd.s32 s3;
	_ =	sdelay $0x1  }
0xa1: {  	s23 =	simm.s32 $0x1B8B  }
0xa2: {  	_ =	swait.ge [sflag:s23], $0x1  }
0xa3: {  	[sflag:s23] =	ssyncset.done $0x0  }
0xa4: {  	s25 =	simm.s32 $0x1B8E;
	s24 =	sld [smem:$0x3FFE];
	[sflag:s23] =	ssyncadd.s32 $0xFFFFFFFF  }
0xa5: {  	s26 =	simm.s32 $execute0_lowered;
	[smem:$0x3FD2] =	sst s25  }
0xa6: {  	s4 =	sshll.u32 s26, $0x1;
	_ =	strace $0x80000049;
	[dreg:$0x1] =	wrdreg $0xFFFFFFFF  }
0xa7: {  	s28 =	simm.s32 $_size_execute0_lowered;
	s2 =	sadd.s32 s2, s4;
	[dreg:$0x0] =	wrdreg $0x0  }
0xa8: {  	s4 =	sshll.u32 s28, $0x1;
	[dreg:$0x2] =	wrdreg s2  }
0xa9: {  	[dreg:$0x3] =	wrdreg s4  }
0xaa: {  	[dreg:$0x4] =	wrdreg $0xC0  }
0xab: {  	_ =	task [dreg:s6], $0x5FFFF  }
0xac: {  	[dreg:$0x1] =	wrdreg $0xFFFFFFFF  }
0xad: {  	[dreg:$0x0] =	wrdreg $0x60  }
0xae: {  	[dreg:$0x2] =	wrdreg s24  }
0xaf: {  	[dreg:$0x3] =	wrdreg $0xC0000  }
0xb0: {  	[dreg:$0x4] =	wrdreg $0x9  }
0xb1: {  	_ =	task.clear_ibuf [dreg:s6], $0x5FFFF;
	_ =	strace $0x90000049  }
0xb2: {  	s29 =	simm.s32 $0x9;
	_ =	strace $0x8000004B  }
0xb3: {  	_ =	swait.ge [sflag:s29], $0x1  }
0xb4: {  	[sflag:s29] =	ssyncadd.s32 $0xFFFFFFFF  }
0xb5: {  	_ =	strace $0x9000004B  }
0xb6: {  	_ =	sfence  }
0xb7: {  	s30 =	sld [smem:$0x0];
	_ =	sdelay $0x2  }
0xb8: {  	s31 =	sshll.u32 s1, $0xD;
	s1 =	sshrl.u32 s1, $0x2  }
0xb9: {  	s3 =	sand.u32 $0x4000, s31;
	s1 =	sadd.s32 s1, s30  }
0xba: {  	s0 =	sor.u32 s3, s0;
	s1 =	sshll.u32 s1, $0x11  }
0xbb: {  	s0 =	sor.u32 s1, s0  }
0xbc: {  	s0 =	sadd.s32 $0x8F2B, s0  }
0xbd: {  	[sflag:s0] =	ssyncadd.remote.s32 $0x1  }
0xbe: {  	_ =	sfence.sel $0xFFFF  }
0xbf: {  	[dreg:$0x0] =	wrdreg $0xFFFFFFFF;
	(pc) =	sbr.abs _section_cstart, $3  }
0xc0: {  	[dreg:$0x1] =	wrdreg $0xFFFFFFFF  }
0xc1: {  	_ =	task.clear_ibuf [dreg:s6], $0x2FFFF;
	_ =	strace $0x9FFFFFFF  }
0xc2: {  	(tm) =	ssettm $0x7FFFFFFF  }
0xc3: {  	_ =	shalt  }
tec
execute0_lowered:
.L_overlay_start_1:
0x0: {  	(tag) =	ssettag $0x1  }
0x1: {  	s0 =	srdreg.scid;
	s5 =	rddreg [dreg:$0x0]  }
0x2: {  	s2 =	rddreg [dreg:$0x1];
	s1 =	stileid.u32;
	s3 =	simm.s32 $0x0  }
0x3: {  	s16 =	simm.s32 $0xA000;
	s17 =	simm.s32 $0x1;
	s18 =	simm.s32 $0x5000  }
0x4: {  	s4 =	sand.u32 $0x1, s0;
	s0 =	rddreg [dreg:$0x2];
	s10 =	smul.u32 $0x50000, s1  }
0x5: {  	[smem:$0x7FF] =	sst s3;
	s20 =	smul.u32 $0x2800, s1;
	s21 =	sshll.u32 s1, $0x6  }
0x6: {  	s6 =	sshll.u32 s4, $0x4;
	_ =	strace $0x8000004A;
	s7 =	smul.u32 $0x28000, s4  }
0x7: {  	s8 =	ssub.s32 $0x2, s4;
	s4 =	sadd.s32 $0x2A800, s5;
	s21 =	sor.u32 $0x1C01, s21  }
0x8: {  	s6 =	sor.u32 s1, s6;
	s9 =	sshrl.u32 s8, $0x1;
	s31 =	sshrl.u32 s10, $0x2  }
0x9: {  	s6 =	smul.u32 $0xA00, s6;
	s7 =	sadd.s32 s7, s5;
	s8 =	ssub.s32 s8, s9  }
0xa: {  	s19 =	sadd.s32 $0x52800, s7;
	s7 =	sadd.s32 s31, s2;
	s8 =	smax.u32 s8, $0x1  }
0xb: {  	s6 =	sadd.s32 s6, s5;
	s9 =	sadd.s32 $0x2800, s7;
	s10 =	sadd.s32 $0x5000, s7  }
0xc: {  	s11 =	sadd.s32 $0x7800, s7;
	s12 =	sadd.s32 $0xA000, s7;
	s13 =	sadd.s32 $0xC800, s7  }
0xd: {  	s14 =	sadd.s32 $0xF000, s7;
	s15 =	sadd.s32 $0x11800, s7;
	s19 =	sadd.s32 s20, s19  }
0xe: {  	v0 =	vimm.f32 $0.0e+00;
	s20 =	simm.s32 $0x40;
	s5 =	sadd.s32 $0x2800, s6;
	s6 =	sadd.s32 $0x16800, s6  }
.LBB2_1:
0xf: {  	s22 =	simm.s32 $0x0;
	s23 =	simm.s32 $0x200  }
.LBB2_2:
0x10: {  	p0 =	sne.s32 s23, $0x7E00;
	[tilespmem:s22+$0xA070] =	vst v0  }
0x11: {  	[tilespmem:s22+$0xA000] =	vst v0  }
0x12: {  	[tilespmem:s22+$0xA010] =	vst v0  }
.Ltmp0:
0x13: {  	[tilespmem:s22+$0xA020] =	vst v0;
	(pc) =	sbr.rel @p0 .LBB2_2-.Ltmp0, $4  }
0x14: {  	[tilespmem:s22+$0xA030] =	vst v0  }
0x15: {  	[tilespmem:s22+$0xA040] =	vst v0  }
0x16: {  	[tilespmem:s22+$0xA050] =	vst v0  }
0x17: {  	[tilespmem:s22+$0xA060] =	vst v0;
	s22 =	sshra.s32 s23, $0x2;
	s23 =	sadd.s32 $0x200, s23  }
0x18: {  	[tilespmem:s22+$0xA070] =	vst v0  }
0x19: {  	[tilespmem:s22+$0xA000] =	vst v0  }
0x1a: {  	[tilespmem:s22+$0xA010] =	vst v0  }
0x1b: {  	[tilespmem:s22+$0xA020] =	vst v0  }
0x1c: {  	[tilespmem:s22+$0xA030] =	vst v0  }
0x1d: {  	[tilespmem:s22+$0xA040] =	vst v0  }
0x1e: {  	[tilespmem:s22+$0xA050] =	vst v0  }
0x1f: {  	[tilespmem:s22+$0xA060] =	vst v0  }
0x20: {  	[spmem:s7] =	stream.linear.scatter [tilespmem:s16], [sflag:$0x1], $0x2800, $0x38;
	v63 =	vld [tilespmem:$0x0]  }
0x21: {  	_ =	swait.ge [sflag:s17], $0x2800  }
0x22: {  	[sflag:s17] =	ssyncset.done $0x0  }
0x23: {  	[sflag:s17] =	ssyncadd.s32 $0xFFFFD800  }
0x24: {  	[spmem:s9] =	stream.linear.scatter [tilespmem:s16], [sflag:$0x1], $0x2800, $0x38;
	v63 =	vld [tilespmem:$0x0]  }
0x25: {  	_ =	swait.ge [sflag:s17], $0x2800  }
0x26: {  	[sflag:s17] =	ssyncset.done $0x0  }
0x27: {  	[sflag:s17] =	ssyncadd.s32 $0xFFFFD800  }
0x28: {  	[spmem:s10] =	stream.linear.scatter [tilespmem:s16], [sflag:$0x1], $0x2800, $0x38;
	v63 =	vld [tilespmem:$0x0]  }
0x29: {  	_ =	swait.ge [sflag:s17], $0x2800  }
0x2a: {  	[sflag:s17] =	ssyncset.done $0x0  }
0x2b: {  	[sflag:s17] =	ssyncadd.s32 $0xFFFFD800  }
0x2c: {  	[spmem:s11] =	stream.linear.scatter [tilespmem:s16], [sflag:$0x1], $0x2800, $0x38;
	v63 =	vld [tilespmem:$0x0]  }
0x2d: {  	_ =	swait.ge [sflag:s17], $0x2800  }
0x2e: {  	[sflag:s17] =	ssyncset.done $0x0  }
0x2f: {  	[sflag:s17] =	ssyncadd.s32 $0xFFFFD800  }
0x30: {  	[spmem:s12] =	stream.linear.scatter [tilespmem:s16], [sflag:$0x1], $0x2800, $0x38;
	v63 =	vld [tilespmem:$0x0]  }
0x31: {  	_ =	swait.ge [sflag:s17], $0x2800  }
0x32: {  	[sflag:s17] =	ssyncset.done $0x0  }
0x33: {  	[sflag:s17] =	ssyncadd.s32 $0xFFFFD800  }
0x34: {  	[spmem:s13] =	stream.linear.scatter [tilespmem:s16], [sflag:$0x1], $0x2800, $0x38;
	v63 =	vld [tilespmem:$0x0]  }
0x35: {  	_ =	swait.ge [sflag:s17], $0x2800  }
0x36: {  	[sflag:s17] =	ssyncset.done $0x0  }
0x37: {  	[sflag:s17] =	ssyncadd.s32 $0xFFFFD800  }
0x38: {  	[spmem:s14] =	stream.linear.scatter [tilespmem:s16], [sflag:$0x1], $0x2800, $0x38;
	v63 =	vld [tilespmem:$0x0]  }
0x39: {  	_ =	swait.ge [sflag:s17], $0x2800  }
0x3a: {  	[sflag:s17] =	ssyncset.done $0x0  }
0x3b: {  	[sflag:s17] =	ssyncadd.s32 $0xFFFFD800  }
0x3c: {  	[spmem:s15] =	stream.linear.scatter [tilespmem:s16], [sflag:$0x1], $0x2800, $0x38;
	v63 =	vld [tilespmem:$0x0]  }
0x3d: {  	_ =	swait.ge [sflag:s17], $0x2800  }
0x3e: {  	[sflag:s17] =	ssyncset.done $0x0  }
0x3f: {  	[sflag:s17] =	ssyncadd.s32 $0xFFFFD800  }
0x40: {  	s29 =	simm.s32 $0x0;
	[bflag:$0x0] =	sbarrier.arrive $0xFFFF  }
0x41: {  	[tilespmem:s29], [sflag:$0x1] =	stream.linear.gather [hbm4b:s5+s29], $0x5000, $0x38;
	v63 =	vld [tilespmem:$0x0]  }
0x42: {  	_ =	swait.ge [sflag:s17], $0x5000  }
0x43: {  	[sflag:s17] =	ssyncset.done $0x0  }
0x44: {  	[sflag:s17] =	ssyncadd.s32 $0xFFFFB000  }
0x45: {  	[tilespmem:s18], [sflag:$0x1] =	stream.linear.gather [hbm4b:s6+s29], $0x5000, $0x38;
	v63 =	vld [tilespmem:$0x0]  }
0x46: {  	_ =	swait.ge [sflag:s17], $0x5000  }
0x47: {  	[sflag:s17] =	ssyncset.done $0x0  }
0x48: {  	s30 =	simm.s32 $0x0;
	[sflag:s17] =	ssyncadd.s32 $0xFFFFB000  }
0x49: {  	[tilespmem:s16], [sflag:$0x1] =	stream.indirect.gather [hbm4b:s4+s20], $0x80, s30, s20, $0xb8;
	v63 =	vld [tilespmem:$0x0]  }
0x4a: {  	_ =	swait.ge [sflag:s17], $0x2000  }
0x4b: {  	[sflag:s17] =	ssyncset.done $0x0  }
0x4c: {  	s31 =	simm.s32 $0x5000;
	[sflag:s17] =	ssyncadd.s32 $0xFFFFE000  }
0x4d: {  	[spmem:s2] =	stream.indirect.scatter.add.f32 [tilespmem:s16], [sflag:$0x1], $0x80, s31, s20, $0xb8;
	v63 =	vld [tilespmem:$0x0]  }
0x4e: {  	_ =	swait.ge [sflag:s17], $0x2000  }
0x4f: {  	s22 =	simm.s32 $0x200;
	s23 =	simm.s32 $0x400;
	[sflag:s17] =	ssyncset.done $0x0  }
.LBB2_4:
0x50: {  	s24 =	sshra.s32 s22, $0x2  }
0x51: {  	[sflag:s17] =	ssyncadd.s32 $0xFFFFE000;
	s22 =	smov.u32 s23;
	s25 =	sadd.s32 $0x200, s23  }
0x52: {  	[tilespmem:s16], [sflag:$0x1] =	stream.indirect.gather [hbm4b:s4+s20], $0x80, s24, s20, $0xb8;
	v63 =	vld [tilespmem:$0x0]  }
0x53: {  	p0 =	sne.s32 s23, $0x13E00;
	_ =	swait.ge [sflag:s17], $0x2000  }
.Ltmp1:
0x54: {  	[sflag:s17] =	ssyncset.done $0x0;
	(pc) =	sbr.rel @p0 .LBB2_4-.Ltmp1, $4  }
0x55: {  	s23 =	sadd.s32 $0x5000, s24;
	[sflag:s17] =	ssyncadd.s32 $0xFFFFE000  }
0x56: {  	[spmem:s2] =	stream.indirect.scatter.add.f32 [tilespmem:s16], [sflag:$0x1], $0x80, s23, s20, $0xb8;
	v63 =	vld [tilespmem:$0x0]  }
0x57: {  	_ =	swait.ge [sflag:s17], $0x2000  }
0x58: {  	s23 =	smov.u32 s25;
	[sflag:s17] =	ssyncset.done $0x0  }
0x59: {  	s22 =	sshra.s32 s22, $0x2;
	[sflag:s17] =	ssyncadd.s32 $0xFFFFE000  }
0x5a: {  	[tilespmem:s16], [sflag:$0x1] =	stream.indirect.gather [hbm4b:s4+s20], $0x80, s22, s20, $0xb8;
	v63 =	vld [tilespmem:$0x0]  }
0x5b: {  	_ =	swait.ge [sflag:s17], $0x2000  }
0x5c: {  	[sflag:s17] =	ssyncset.done $0x0  }
0x5d: {  	s22 =	sadd.s32 $0x5000, s22;
	[sflag:s17] =	ssyncadd.s32 $0xFFFFE000  }
0x5e: {  	[spmem:s2] =	stream.indirect.scatter.add.f32 [tilespmem:s16], [sflag:$0x1], $0x80, s22, s20, $0xb8;
	v63 =	vld [tilespmem:$0x0]  }
0x5f: {  	_ =	swait.ge [sflag:s17], $0x2000  }
0x60: {  	s3 =	sadd.s32 $0x1, s3;
	[sflag:s17] =	ssyncset.done $0x0  }
0x61: {  	p0 =	sne.s32 s3, s8;
	[sflag:s17] =	ssyncadd.s32 $0xFFFFE000  }
.Ltmp2:
0x62: {  	s31 =	sshrl.u32 s7, $0x3;
	[bflag:$0x0] =	sbarrier.arrive $0xFFFF;
	(pc) =	sbr.rel @p0 .LBB2_1-.Ltmp2, $4  }
0x63: {  	[hbm:s19], [sflag:s21] =	dma.local [spmem:s31], $0x2800  }
0x64: {  	_ =	swait.ge [sflag:s17], $0x2800  }
0x65: {  	[sflag:s17] =	ssyncset.done $0x0  }
0x66: {  	[sflag:s17] =	ssyncadd.s32 $0xFFFFD800  }
0x67: {  	_ =	sfence.sel $0x180000  }
0x68: {  	[bflag:$0x0] =	sbarrier.arrive $0xFFFF  }
0x69: {  	p0 =	sne.s32 s1, $0x0;
	_ =	strace $0x9000004A  }
0x6a: {  	s0 =	sadd.s32 @!p0 $0x100000, s0;
	[bflag:$0x2] =	sbarrier.arrive $0xFFFF  }
0x6b: {  	[sflag:s0] =	ssyncadd.tile.s32 @!p0 $0x1;
	_ =	shalt  }
.Lfunc_end2:
_tile_overlayer_lowered:
.L_overlay_start_2:
0x6c: {  	(tag) =	ssettag $0x2  }
0x6d: {  	s0 =	rddreg [dreg:$0x0];
	s2 =	stileid.u32  }
0x6e: {  	s1 =	rddreg [dreg:$0x1];
	p0 =	sne.s32 s2, $0x0  }
0x6f: {  	s3 =	rddreg [dreg:$0x2];
	[bflag:$0x3] =	sbarrier.arrive $0xFFFF;
	s2 =	simm.s32 @!p0 $0x1C01  }
0x70: {  	[timem:s3], [sflag:s2] =	dma.local @!p0 [hbm:s0], s1  }
0x71: {  	s0 =	simm.s32 @!p0 $0x1  }
0x72: {  	_ =	swait.ge @!p0 [sflag:s0], s1  }
0x73: {  	s1 =	ssub.s32 @!p0 $0x0, s1;
	[sflag:s0] =	ssyncset.done @!p0 $0x0  }
0x74: {  	[sflag:s0] =	ssyncadd.s32 @!p0 s1  }
0x75: {  	[bflag:$0x3] =	sbarrier.arrive $0xFFFF  }
0x76: {  	_ =	shalt  }

// kernel: kernel.17.cloned.1.call-start
scs
__scs_entry_jumppad:
0x0: {  	(pc) =	sbr.rel $0x88, $3  }
0x1: {  	(tag) =	ssettag $0x0;
	lr =	simm.s32 $0x1  }
0x2: {  	[smem:$0x3F98] =	sst lr;
	_ =	strace $0xD0000000  }
0x3: {  	_ = 	snop  }
0x4: {  	_ = 	snop  }
0x5: {  	_ = 	snop  }
0x6: {  	_ = 	snop  }
0x7: {  	_ = 	snop  }
__scs_overlays_trampoline_lowered:
0x8: {  	[smem:$0x3FA7] =	sst s0  }
0x9: {  	[smem:$0x3FA8] =	sst s1  }
0xa: {  	[smem:$0x3FA9] =	sst s2  }
0xb: {  	[smem:$0x3FAA] =	sst s3  }
0xc: {  	[smem:$0x3FAB] =	sst s4  }
0xd: {  	[smem:$0x3FAC] =	sst s5  }
0xe: {  	[smem:$0x3FAD] =	sst s6  }
0xf: {  	[smem:$0x3FAE] =	sst s7  }
0x10: {  	[smem:$0x3FAF] =	sst s8  }
0x11: {  	[smem:$0x3FB0] =	sst s9;
	s0 =	simm.s32 @!p0 $0x0  }
0x12: {  	s1 =	sld [smem:$0x3F96];
	s0 =	simm.s32 @p0 $0x1  }
0x13: {  	[smem:$0x3FB1] =	sst s0;
	s0 =	simm.s32 @!p1 $0x0  }
0x14: {  	s2 =	sld [smem:$0x3F95];
	s0 =	simm.s32 @p1 $0x1  }
0x15: {  	[smem:$0x3FB2] =	sst s0;
	s0 =	simm.s32 @!p2 $0x0  }
0x16: {  	s3 =	sld [smem:$0x3FDB];
	s0 =	simm.s32 @p2 $0x1  }
0x17: {  	s4 =	simm.s32 $0x1BF5;
	[smem:$0x3FB4] =	sst s0  }
0x18: {  	s0 =	sld [smem:$0x3F97];
	_ =	swait.ge [sflag:s4], $0x0  }
0x19: {  	s7 =	sld [smem:$0x3F98]  }
0x1a: {  	s8 =	sadd.s32 $0xFFFFE003, lr  }
0x1b: {  	s9 =	sadd.s32 $0xFFFFFEF7, lr;
	s5 =	simm.s32 $0xFFFFFFFF;
	p2 =	slt.u32 s8, $0xFFFFF086  }
0x1c: {  	p1 =	slt.u32 s9, $0xF7A;
	s5 =	simm.s32 @!p2 $0x0  }
0x1d: {  	s5 =	simm.s32 @p1 $0x1;
	p0 =	seq.s32 s7, s2  }
0x1e: {  	s7 =	smul.u32 @!p0 $0xF7A, s2;
	p2 =	seq.s32 @!p0 s5, $0x0  }
0x1f: {  	s9 =	smul.u32 $0xF7A, s1;
	s8 =	simm.s32 @!p0 $0x1BF5;
	p2 =	por !p2, p0  }
0x20: {  	[sflag:s8] =	ssyncset.s32 @!p0 $0xFFFFF086;
	s6 =	sadd.s32 @!p0 s3, s7;
	s7 =	simm.s32 @!p0 $0x108  }
0x21: {  	s3 =	sadd.s32 s3, s9;
	s6 =	sadd.s32 @!p0 $0x88, s6;
	s7 =	simm.s32 @p2 $0x1082  }
0x22: {  	[simem:s7], [sflag:s8] =	dma.local @!p0 [hbm:s6], $0xF7A  }
0x23: {  	s9 =	sor.u32 $0xD0000000, s2;
	s6 =	simm.s32 $0x108;
	_ =	swait.ge @!p0 [sflag:s8], $0x0  }
0x24: {  	s3 =	sadd.s32 $0x88, s3;
	s6 =	simm.s32 @!p1 $0x1082;
	[sflag:s4] =	ssyncset.s32 $0xFFFFF086  }
0x25: {  	[simem:s6], [sflag:s4] =	dma.local [hbm:s3], $0xF7A  }
0x26: {  	[smem:$0x3F98] =	sst s1;
	(tag) =	ssettag s2;
	_ =	strace s9  }
0x27: {  	s1 =	sld [smem:$0x3FA8]  }
0x28: {  	s2 =	sld [smem:$0x3FA9]  }
0x29: {  	s4 =	sld [smem:$0x3FAB]  }
0x2a: {  	p0 =	seq.s32 s5, $0x0;
	s5 =	sld [smem:$0x3FAC]  }
0x2b: {  	s6 =	sld [smem:$0x3FAD]  }
0x2c: {  	s7 =	sld [smem:$0x3FAE]  }
0x2d: {  	s3 =	simm.s32 $0x108;
	s8 =	sld [smem:$0x3FAF]  }
0x2e: {  	s3 =	simm.s32 @!p0 $0x1082;
	s9 =	sld [smem:$0x3FB0]  }
0x2f: {  	lr =	sadd.s32 s0, s3;
	s0 =	sld [smem:$0x3FA7]  }
0x30: {  	s3 =	sld [smem:$0x3FAA]  }
0x31: {  	[smem:$0x3FB3] =	sst s10  }
0x32: {  	s10 =	sld [smem:$0x3FB1];
	_ =	sdelay $0x3  }
0x33: {  	p0 =	seq.s32 s10, $0x1;
	s10 =	sld [smem:$0x3FB3];
	_ =	sdelay $0x3  }
0x34: {  	[smem:$0x3FB3] =	sst s10  }
0x35: {  	s10 =	sld [smem:$0x3FB2];
	_ =	sdelay $0x3  }
0x36: {  	p1 =	seq.s32 s10, $0x1;
	s10 =	sld [smem:$0x3FB3];
	_ =	sdelay $0x3  }
0x37: {  	[smem:$0x3FB3] =	sst s10  }
0x38: {  	s10 =	sld [smem:$0x3FB4]  }
0x39: {  	_ = 	snop;
	(pc) =	sbr.ind lr, $3  }
0x3a: {  	_ = 	snop  }
0x3b: {  	_ = 	snop  }
0x3c: {  	p2 =	seq.s32 s10, $0x1;
	s10 =	sld [smem:$0x3FB3]  }
0x3d: {  	_ =	shalt  }
0x3e: {  	_ =	shalt  }
0x3f: {  	_ =	shalt  }
0x40: {  	_ =	shalt  }
0x41: {  	_ =	shalt  }
0x42: {  	_ =	shalt  }
0x43: {  	_ =	shalt  }
0x44: {  	_ =	shalt  }
0x45: {  	_ =	shalt  }
0x46: {  	_ =	shalt  }
0x47: {  	_ =	shalt  }
0x48: {  	_ =	shalt  }
0x49: {  	_ =	shalt  }
0x4a: {  	_ =	shalt  }
0x4b: {  	_ =	shalt  }
0x4c: {  	_ =	shalt  }
0x4d: {  	_ =	shalt  }
0x4e: {  	_ =	shalt  }
0x4f: {  	_ =	shalt  }
0x50: {  	_ =	shalt  }
0x51: {  	_ =	shalt  }
0x52: {  	_ =	shalt  }
0x53: {  	_ =	shalt  }
0x54: {  	_ =	shalt  }
0x55: {  	_ =	shalt  }
0x56: {  	_ =	shalt  }
0x57: {  	_ =	shalt  }
0x58: {  	_ =	shalt  }
0x59: {  	_ =	shalt  }
0x5a: {  	_ =	shalt  }
0x5b: {  	_ =	shalt  }
0x5c: {  	_ =	shalt  }
0x5d: {  	_ =	shalt  }
0x5e: {  	_ =	shalt  }
0x5f: {  	_ =	shalt  }
0x60: {  	_ =	shalt  }
0x61: {  	_ =	shalt  }
0x62: {  	_ =	shalt  }
0x63: {  	_ =	shalt  }
0x64: {  	_ =	shalt  }
0x65: {  	_ =	shalt  }
0x66: {  	_ =	shalt  }
0x67: {  	_ =	shalt  }
0x68: {  	_ =	shalt  }
0x69: {  	_ =	shalt  }
0x6a: {  	_ =	shalt  }
0x6b: {  	_ =	shalt  }
0x6c: {  	_ =	shalt  }
0x6d: {  	_ =	shalt  }
0x6e: {  	_ =	shalt  }
0x6f: {  	_ =	shalt  }
0x70: {  	_ =	shalt  }
0x71: {  	_ =	shalt  }
0x72: {  	_ =	shalt  }
0x73: {  	_ =	shalt  }
0x74: {  	_ =	shalt  }
0x75: {  	_ =	shalt  }
0x76: {  	_ =	shalt  }
0x77: {  	_ =	shalt  }
0x78: {  	_ =	shalt  }
0x79: {  	_ =	shalt  }
0x7a: {  	_ =	shalt  }
0x7b: {  	_ =	shalt  }
0x7c: {  	_ =	shalt  }
0x7d: {  	_ =	shalt  }
0x7e: {  	_ =	shalt  }
0x7f: {  	_ =	shalt  }
0x80: {  	_ =	shalt  }
0x81: {  	_ =	shalt  }
0x82: {  	_ =	shalt  }
0x83: {  	_ =	shalt  }
0x84: {  	_ =	shalt  }
0x85: {  	_ =	shalt  }
0x86: {  	_ =	shalt  }
0x87: {  	_ =	shalt  }
.Lfunc_end0:
.L_simem_size_0:
called_computation.2_lowered:
.L_overlay_start_0:
0x88: {  	s2 =	sld [smem:$0x3FD9]  }
0x89: {  	s3 =	sld [smem:$0x3FFE];
	_ =	sdelay $0x1  }
0x8a: {  	s1 =	srdreg.scid  }
0x8b: {  	s0 =	sand.u32 $0x1, s1  }
0x8c: {  	s16 =	sshll.u32 s0, $0xA;
	s2 =	sadd.s32 s3, s2  }
0x8d: {  	s2 =	sadd.s32 s2, s16  }
0x8e: {  	[smem:$0x3FBF] =	sst s2  }
0x8f: {  	_ = 	snop  }
0x90: {  	(tm) =	ssettm $0x1  }
0x91: {  	s17 =	sld [smem:$0x3FFB];
	_ =	sdelay $0x3  }
0x92: {  	_ =	strace s17  }
0x93: {  	s2 =	sld [smem:$0x3FFC];
	_ =	sdelay $0x3  }
0x94: {  	_ =	strace s2  }
0x95: {  	s2 =	sld [smem:$0x3FFD];
	_ =	sdelay $0x3  }
0x96: {  	_ =	strace s2  }
0x97: {  	_ =	strace $0x8FFFFFFF  }
0x98: {  	s18 =	sld [smem:$0x3FDB];
	_ =	sdelay $0x1  }
0x99: {  	s19 =	simm.s32 $_scs_section_size  }
0x9a: {  	s4 =	simm.s32 $_size__tile_overlayer_lowered;
	s5 =	simm.s32 $_tile_overlayer_lowered  }
0x9b: {  	s22 =	simm.s32 $0x1BFF;
	s21 =	sshll.u32 s5, $0x1;
	s2 =	sadd.s32 s19, s18  }
0x9c: {  	s6 =	simm.s32 $0x0;
	s20 =	sshll.u32 s4, $0x1;
	s4 =	sadd.s32 s21, s2  }
0x9d: {  	[timem:s6], [sflag:s22] =	dma.local [hbm:s4], s20  }
0x9e: {  	_ =	swait.ge [sflag:s22], s20  }
0x9f: {  	s3 =	ssub.s32 $0x0, s20;
	[sflag:s22] =	ssyncset.done $0x0  }
0xa0: {  	[sflag:s22] =	ssyncadd.s32 s3;
	_ =	sdelay $0x1  }
0xa1: {  	s23 =	simm.s32 $0x1B8B  }
0xa2: {  	_ =	swait.ge [sflag:s23], $0x1  }
0xa3: {  	[sflag:s23] =	ssyncset.done $0x0  }
0xa4: {  	s25 =	simm.s32 $0x1B8E;
	s24 =	sld [smem:$0x3FFE];
	[sflag:s23] =	ssyncadd.s32 $0xFFFFFFFF  }
0xa5: {  	s26 =	simm.s32 $execute0_lowered;
	[smem:$0x3FD2] =	sst s25  }
0xa6: {  	s4 =	sshll.u32 s26, $0x1;
	_ =	strace $0x8000004C;
	[dreg:$0x1] =	wrdreg $0xFFFFFFFF  }
0xa7: {  	s28 =	simm.s32 $_size_execute0_lowered;
	s2 =	sadd.s32 s2, s4;
	[dreg:$0x0] =	wrdreg $0x0  }
0xa8: {  	s4 =	sshll.u32 s28, $0x1;
	[dreg:$0x2] =	wrdreg s2  }
0xa9: {  	[dreg:$0x3] =	wrdreg s4  }
0xaa: {  	[dreg:$0x4] =	wrdreg $0xC0  }
0xab: {  	_ =	task [dreg:s6], $0x5FFFF  }
0xac: {  	[dreg:$0x1] =	wrdreg $0xFFFFFFFF  }
0xad: {  	[dreg:$0x0] =	wrdreg $0x60  }
0xae: {  	[dreg:$0x2] =	wrdreg s24  }
0xaf: {  	[dreg:$0x3] =	wrdreg $0xC0000  }
0xb0: {  	[dreg:$0x4] =	wrdreg $0x9  }
0xb1: {  	_ =	task.clear_ibuf [dreg:s6], $0x5FFFF;
	_ =	strace $0x9000004C  }
0xb2: {  	s29 =	simm.s32 $0x9;
	_ =	strace $0x8000004E  }
0xb3: {  	_ =	swait.ge [sflag:s29], $0x1  }
0xb4: {  	[sflag:s29] =	ssyncadd.s32 $0xFFFFFFFF  }
0xb5: {  	_ =	strace $0x9000004E  }
0xb6: {  	_ =	sfence  }
0xb7: {  	s30 =	sld [smem:$0x0];
	_ =	sdelay $0x2  }
0xb8: {  	s31 =	sshll.u32 s1, $0xD;
	s1 =	sshrl.u32 s1, $0x2  }
0xb9: {  	s3 =	sand.u32 $0x4000, s31;
	s1 =	sadd.s32 s1, s30  }
0xba: {  	s0 =	sor.u32 s3, s0;
	s1 =	sshll.u32 s1, $0x11  }
0xbb: {  	s0 =	sor.u32 s1, s0  }
0xbc: {  	s0 =	sadd.s32 $0x8F2B, s0  }
0xbd: {  	[sflag:s0] =	ssyncadd.remote.s32 $0x1  }
0xbe: {  	_ =	sfence.sel $0xFFFF  }
0xbf: {  	[dreg:$0x0] =	wrdreg $0xFFFFFFFF;
	(pc) =	sbr.abs _section_cstart, $3  }
0xc0: {  	[dreg:$0x1] =	wrdreg $0xFFFFFFFF  }
0xc1: {  	_ =	task.clear_ibuf [dreg:s6], $0x2FFFF;
	_ =	strace $0x9FFFFFFF  }
0xc2: {  	(tm) =	ssettm $0x7FFFFFFF  }
0xc3: {  	_ =	shalt  }
tec
execute0_lowered:
.L_overlay_start_1:
0x0: {  	(tag) =	ssettag $0x1  }
0x1: {  	s0 =	srdreg.scid;
	s5 =	rddreg [dreg:$0x0]  }
0x2: {  	s2 =	rddreg [dreg:$0x1];
	s1 =	stileid.u32;
	s3 =	simm.s32 $0x0  }
0x3: {  	s16 =	simm.s32 $0xA000;
	s17 =	simm.s32 $0x1;
	s18 =	simm.s32 $0x5000  }
0x4: {  	s4 =	sand.u32 $0x1, s0;
	s0 =	rddreg [dreg:$0x2];
	s10 =	smul.u32 $0x50000, s1  }
0x5: {  	[smem:$0x7FF] =	sst s3;
	s20 =	smul.u32 $0x2800, s1;
	s21 =	sshll.u32 s1, $0x6  }
0x6: {  	s6 =	sshll.u32 s4, $0x4;
	_ =	strace $0x8000004D;
	s7 =	smul.u32 $0x28000, s4  }
0x7: {  	s8 =	ssub.s32 $0x2, s4;
	s4 =	sadd.s32 $0x2A800, s5;
	s21 =	sor.u32 $0x1C01, s21  }
0x8: {  	s6 =	sor.u32 s1, s6;
	s9 =	sshrl.u32 s8, $0x1;
	s31 =	sshrl.u32 s10, $0x2  }
0x9: {  	s6 =	smul.u32 $0xA00, s6;
	s7 =	sadd.s32 s7, s5;
	s8 =	ssub.s32 s8, s9  }
0xa: {  	s19 =	sadd.s32 $0x52800, s7;
	s7 =	sadd.s32 s31, s2;
	s8 =	smax.u32 s8, $0x1  }
0xb: {  	s6 =	sadd.s32 s6, s5;
	s9 =	sadd.s32 $0x2800, s7;
	s10 =	sadd.s32 $0x5000, s7  }
0xc: {  	s11 =	sadd.s32 $0x7800, s7;
	s12 =	sadd.s32 $0xA000, s7;
	s13 =	sadd.s32 $0xC800, s7  }
0xd: {  	s14 =	sadd.s32 $0xF000, s7;
	s15 =	sadd.s32 $0x11800, s7;
	s19 =	sadd.s32 s20, s19  }
0xe: {  	v0 =	vimm.f32 $0.0e+00;
	s20 =	simm.s32 $0x40;
	s5 =	sadd.s32 $0x2800, s6;
	s6 =	sadd.s32 $0x16800, s6  }
.LBB2_1:
0xf: {  	s22 =	simm.s32 $0x0;
	s23 =	simm.s32 $0x200  }
.LBB2_2:
0x10: {  	p0 =	sne.s32 s23, $0x7E00;
	[tilespmem:s22+$0xA070] =	vst v0  }
0x11: {  	[tilespmem:s22+$0xA000] =	vst v0  }
0x12: {  	[tilespmem:s22+$0xA010] =	vst v0  }
.Ltmp0:
0x13: {  	[tilespmem:s22+$0xA020] =	vst v0;
	(pc) =	sbr.rel @p0 .LBB2_2-.Ltmp0, $4  }
0x14: {  	[tilespmem:s22+$0xA030] =	vst v0  }
0x15: {  	[tilespmem:s22+$0xA040] =	vst v0  }
0x16: {  	[tilespmem:s22+$0xA050] =	vst v0  }
0x17: {  	[tilespmem:s22+$0xA060] =	vst v0;
	s22 =	sshra.s32 s23, $0x2;
	s23 =	sadd.s32 $0x200, s23  }
0x18: {  	[tilespmem:s22+$0xA070] =	vst v0  }
0x19: {  	[tilespmem:s22+$0xA000] =	vst v0  }
0x1a: {  	[tilespmem:s22+$0xA010] =	vst v0  }
0x1b: {  	[tilespmem:s22+$0xA020] =	vst v0  }
0x1c: {  	[tilespmem:s22+$0xA030] =	vst v0  }
0x1d: {  	[tilespmem:s22+$0xA040] =	vst v0  }
0x1e: {  	[tilespmem:s22+$0xA050] =	vst v0  }
0x1f: {  	[tilespmem:s22+$0xA060] =	vst v0  }
0x20: {  	[spmem:s7] =	stream.linear.scatter [tilespmem:s16], [sflag:$0x1], $0x2800, $0x38;
	v63 =	vld [tilespmem:$0x0]  }
0x21: {  	_ =	swait.ge [sflag:s17], $0x2800  }
0x22: {  	[sflag:s17] =	ssyncset.done $0x0  }
0x23: {  	[sflag:s17] =	ssyncadd.s32 $0xFFFFD800  }
0x24: {  	[spmem:s9] =	stream.linear.scatter [tilespmem:s16], [sflag:$0x1], $0x2800, $0x38;
	v63 =	vld [tilespmem:$0x0]  }
0x25: {  	_ =	swait.ge [sflag:s17], $0x2800  }
0x26: {  	[sflag:s17] =	ssyncset.done $0x0  }
0x27: {  	[sflag:s17] =	ssyncadd.s32 $0xFFFFD800  }
0x28: {  	[spmem:s10] =	stream.linear.scatter [tilespmem:s16], [sflag:$0x1], $0x2800, $0x38;
	v63 =	vld [tilespmem:$0x0]  }
0x29: {  	_ =	swait.ge [sflag:s17], $0x2800  }
0x2a: {  	[sflag:s17] =	ssyncset.done $0x0  }
0x2b: {  	[sflag:s17] =	ssyncadd.s32 $0xFFFFD800  }
0x2c: {  	[spmem:s11] =	stream.linear.scatter [tilespmem:s16], [sflag:$0x1], $0x2800, $0x38;
	v63 =	vld [tilespmem:$0x0]  }
0x2d: {  	_ =	swait.ge [sflag:s17], $0x2800  }
0x2e: {  	[sflag:s17] =	ssyncset.done $0x0  }
0x2f: {  	[sflag:s17] =	ssyncadd.s32 $0xFFFFD800  }
0x30: {  	[spmem:s12] =	stream.linear.scatter [tilespmem:s16], [sflag:$0x1], $0x2800, $0x38;
	v63 =	vld [tilespmem:$0x0]  }
0x31: {  	_ =	swait.ge [sflag:s17], $0x2800  }
0x32: {  	[sflag:s17] =	ssyncset.done $0x0  }
0x33: {  	[sflag:s17] =	ssyncadd.s32 $0xFFFFD800  }
0x34: {  	[spmem:s13] =	stream.linear.scatter [tilespmem:s16], [sflag:$0x1], $0x2800, $0x38;
	v63 =	vld [tilespmem:$0x0]  }
0x35: {  	_ =	swait.ge [sflag:s17], $0x2800  }
0x36: {  	[sflag:s17] =	ssyncset.done $0x0  }
0x37: {  	[sflag:s17] =	ssyncadd.s32 $0xFFFFD800  }
0x38: {  	[spmem:s14] =	stream.linear.scatter [tilespmem:s16], [sflag:$0x1], $0x2800, $0x38;
	v63 =	vld [tilespmem:$0x0]  }
0x39: {  	_ =	swait.ge [sflag:s17], $0x2800  }
0x3a: {  	[sflag:s17] =	ssyncset.done $0x0  }
0x3b: {  	[sflag:s17] =	ssyncadd.s32 $0xFFFFD800  }
0x3c: {  	[spmem:s15] =	stream.linear.scatter [tilespmem:s16], [sflag:$0x1], $0x2800, $0x38;
	v63 =	vld [tilespmem:$0x0]  }
0x3d: {  	_ =	swait.ge [sflag:s17], $0x2800  }
0x3e: {  	[sflag:s17] =	ssyncset.done $0x0  }
0x3f: {  	[sflag:s17] =	ssyncadd.s32 $0xFFFFD800  }
0x40: {  	s29 =	simm.s32 $0x0;
	[bflag:$0x0] =	sbarrier.arrive $0xFFFF  }
0x41: {  	[tilespmem:s29], [sflag:$0x1] =	stream.linear.gather [hbm4b:s5+s29], $0x5000, $0x38;
	v63 =	vld [tilespmem:$0x0]  }
0x42: {  	_ =	swait.ge [sflag:s17], $0x5000  }
0x43: {  	[sflag:s17] =	ssyncset.done $0x0  }
0x44: {  	[sflag:s17] =	ssyncadd.s32 $0xFFFFB000  }
0x45: {  	[tilespmem:s18], [sflag:$0x1] =	stream.linear.gather [hbm4b:s6+s29], $0x5000, $0x38;
	v63 =	vld [tilespmem:$0x0]  }
0x46: {  	_ =	swait.ge [sflag:s17], $0x5000  }
0x47: {  	[sflag:s17] =	ssyncset.done $0x0  }
0x48: {  	s30 =	simm.s32 $0x0;
	[sflag:s17] =	ssyncadd.s32 $0xFFFFB000  }
0x49: {  	[tilespmem:s16], [sflag:$0x1] =	stream.indirect.gather [hbm4b:s4+s20], $0x80, s30, s20, $0xb8;
	v63 =	vld [tilespmem:$0x0]  }
0x4a: {  	_ =	swait.ge [sflag:s17], $0x2000  }
0x4b: {  	[sflag:s17] =	ssyncset.done $0x0  }
0x4c: {  	s31 =	simm.s32 $0x5000;
	[sflag:s17] =	ssyncadd.s32 $0xFFFFE000  }
0x4d: {  	[spmem:s2] =	stream.indirect.scatter.add.f32 [tilespmem:s16], [sflag:$0x1], $0x80, s31, s20, $0xb8;
	v63 =	vld [tilespmem:$0x0]  }
0x4e: {  	_ =	swait.ge [sflag:s17], $0x2000  }
0x4f: {  	s22 =	simm.s32 $0x200;
	s23 =	simm.s32 $0x400;
	[sflag:s17] =	ssyncset.done $0x0  }
.LBB2_4:
0x50: {  	s24 =	sshra.s32 s22, $0x2  }
0x51: {  	[sflag:s17] =	ssyncadd.s32 $0xFFFFE000;
	s22 =	smov.u32 s23;
	s25 =	sadd.s32 $0x200, s23  }
0x52: {  	[tilespmem:s16], [sflag:$0x1] =	stream.indirect.gather [hbm4b:s4+s20], $0x80, s24, s20, $0xb8;
	v63 =	vld [tilespmem:$0x0]  }
0x53: {  	p0 =	sne.s32 s23, $0x13E00;
	_ =	swait.ge [sflag:s17], $0x2000  }
.Ltmp1:
0x54: {  	[sflag:s17] =	ssyncset.done $0x0;
	(pc) =	sbr.rel @p0 .LBB2_4-.Ltmp1, $4  }
0x55: {  	s23 =	sadd.s32 $0x5000, s24;
	[sflag:s17] =	ssyncadd.s32 $0xFFFFE000  }
0x56: {  	[spmem:s2] =	stream.indirect.scatter.add.f32 [tilespmem:s16], [sflag:$0x1], $0x80, s23, s20, $0xb8;
	v63 =	vld [tilespmem:$0x0]  }
0x57: {  	_ =	swait.ge [sflag:s17], $0x2000  }
0x58: {  	s23 =	smov.u32 s25;
	[sflag:s17] =	ssyncset.done $0x0  }
0x59: {  	s22 =	sshra.s32 s22, $0x2;
	[sflag:s17] =	ssyncadd.s32 $0xFFFFE000  }
0x5a: {  	[tilespmem:s16], [sflag:$0x1] =	stream.indirect.gather [hbm4b:s4+s20], $0x80, s22, s20, $0xb8;
	v63 =	vld [tilespmem:$0x0]  }
0x5b: {  	_ =	swait.ge [sflag:s17], $0x2000  }
0x5c: {  	[sflag:s17] =	ssyncset.done $0x0  }
0x5d: {  	s22 =	sadd.s32 $0x5000, s22;
	[sflag:s17] =	ssyncadd.s32 $0xFFFFE000  }
0x5e: {  	[spmem:s2] =	stream.indirect.scatter.add.f32 [tilespmem:s16], [sflag:$0x1], $0x80, s22, s20, $0xb8;
	v63 =	vld [tilespmem:$0x0]  }
0x5f: {  	_ =	swait.ge [sflag:s17], $0x2000  }
0x60: {  	s3 =	sadd.s32 $0x1, s3;
	[sflag:s17] =	ssyncset.done $0x0  }
0x61: {  	p0 =	sne.s32 s3, s8;
	[sflag:s17] =	ssyncadd.s32 $0xFFFFE000  }
.Ltmp2:
0x62: {  	s31 =	sshrl.u32 s7, $0x3;
	[bflag:$0x0] =	sbarrier.arrive $0xFFFF;
	(pc) =	sbr.rel @p0 .LBB2_1-.Ltmp2, $4  }
0x63: {  	[hbm:s19], [sflag:s21] =	dma.local [spmem:s31], $0x2800  }
0x64: {  	_ =	swait.ge [sflag:s17], $0x2800  }
0x65: {  	[sflag:s17] =	ssyncset.done $0x0  }
0x66: {  	[sflag:s17] =	ssyncadd.s32 $0xFFFFD800  }
0x67: {  	_ =	sfence.sel $0x180000  }
0x68: {  	[bflag:$0x0] =	sbarrier.arrive $0xFFFF  }
0x69: {  	p0 =	sne.s32 s1, $0x0;
	_ =	strace $0x9000004D  }
0x6a: {  	s0 =	sadd.s32 @!p0 $0x100000, s0;
	[bflag:$0x2] =	sbarrier.arrive $0xFFFF  }
0x6b: {  	[sflag:s0] =	ssyncadd.tile.s32 @!p0 $0x1;
	_ =	shalt  }
.Lfunc_end2:
_tile_overlayer_lowered:
.L_overlay_start_2:
0x6c: {  	(tag) =	ssettag $0x2  }
0x6d: {  	s0 =	rddreg [dreg:$0x0];
	s2 =	stileid.u32  }
0x6e: {  	s1 =	rddreg [dreg:$0x1];
	p0 =	sne.s32 s2, $0x0  }
0x6f: {  	s3 =	rddreg [dreg:$0x2];
	[bflag:$0x3] =	sbarrier.arrive $0xFFFF;
	s2 =	simm.s32 @!p0 $0x1C01  }
0x70: {  	[timem:s3], [sflag:s2] =	dma.local @!p0 [hbm:s0], s1  }
0x71: {  	s0 =	simm.s32 @!p0 $0x1  }
0x72: {  	_ =	swait.ge @!p0 [sflag:s0], s1  }
0x73: {  	s1 =	ssub.s32 @!p0 $0x0, s1;
	[sflag:s0] =	ssyncset.done @!p0 $0x0  }
0x74: {  	[sflag:s0] =	ssyncadd.s32 @!p0 s1  }
0x75: {  	[bflag:$0x3] =	sbarrier.arrive $0xFFFF  }
0x76: {  	_ =	shalt  }

// kernel: kernel.20.cloned.1.call-start
scs
__scs_entry_jumppad:
0x0: {  	(pc) =	sbr.rel $0x88, $3  }
0x1: {  	(tag) =	ssettag $0x0;
	lr =	simm.s32 $0x1  }
0x2: {  	[smem:$0x3F98] =	sst lr;
	_ =	strace $0xD0000000  }
0x3: {  	_ = 	snop  }
0x4: {  	_ = 	snop  }
0x5: {  	_ = 	snop  }
0x6: {  	_ = 	snop  }
0x7: {  	_ = 	snop  }
__scs_overlays_trampoline_lowered:
0x8: {  	[smem:$0x3FA7] =	sst s0  }
0x9: {  	[smem:$0x3FA8] =	sst s1  }
0xa: {  	[smem:$0x3FA9] =	sst s2  }
0xb: {  	[smem:$0x3FAA] =	sst s3  }
0xc: {  	[smem:$0x3FAB] =	sst s4  }
0xd: {  	[smem:$0x3FAC] =	sst s5  }
0xe: {  	[smem:$0x3FAD] =	sst s6  }
0xf: {  	[smem:$0x3FAE] =	sst s7  }
0x10: {  	[smem:$0x3FAF] =	sst s8  }
0x11: {  	[smem:$0x3FB0] =	sst s9;
	s0 =	simm.s32 @!p0 $0x0  }
0x12: {  	s1 =	sld [smem:$0x3F96];
	s0 =	simm.s32 @p0 $0x1  }
0x13: {  	[smem:$0x3FB1] =	sst s0;
	s0 =	simm.s32 @!p1 $0x0  }
0x14: {  	s2 =	sld [smem:$0x3F95];
	s0 =	simm.s32 @p1 $0x1  }
0x15: {  	[smem:$0x3FB2] =	sst s0;
	s0 =	simm.s32 @!p2 $0x0  }
0x16: {  	s3 =	sld [smem:$0x3FDB];
	s0 =	simm.s32 @p2 $0x1  }
0x17: {  	s4 =	simm.s32 $0x1BF5;
	[smem:$0x3FB4] =	sst s0  }
0x18: {  	s0 =	sld [smem:$0x3F97];
	_ =	swait.ge [sflag:s4], $0x0  }
0x19: {  	s7 =	sld [smem:$0x3F98]  }
0x1a: {  	s8 =	sadd.s32 $0xFFFFE003, lr  }
0x1b: {  	s9 =	sadd.s32 $0xFFFFFEF7, lr;
	s5 =	simm.s32 $0xFFFFFFFF;
	p2 =	slt.u32 s8, $0xFFFFF086  }
0x1c: {  	p1 =	slt.u32 s9, $0xF7A;
	s5 =	simm.s32 @!p2 $0x0  }
0x1d: {  	s5 =	simm.s32 @p1 $0x1;
	p0 =	seq.s32 s7, s2  }
0x1e: {  	s7 =	smul.u32 @!p0 $0xF7A, s2;
	p2 =	seq.s32 @!p0 s5, $0x0  }
0x1f: {  	s9 =	smul.u32 $0xF7A, s1;
	s8 =	simm.s32 @!p0 $0x1BF5;
	p2 =	por !p2, p0  }
0x20: {  	[sflag:s8] =	ssyncset.s32 @!p0 $0xFFFFF086;
	s6 =	sadd.s32 @!p0 s3, s7;
	s7 =	simm.s32 @!p0 $0x108  }
0x21: {  	s3 =	sadd.s32 s3, s9;
	s6 =	sadd.s32 @!p0 $0x88, s6;
	s7 =	simm.s32 @p2 $0x1082  }
0x22: {  	[simem:s7], [sflag:s8] =	dma.local @!p0 [hbm:s6], $0xF7A  }
0x23: {  	s9 =	sor.u32 $0xD0000000, s2;
	s6 =	simm.s32 $0x108;
	_ =	swait.ge @!p0 [sflag:s8], $0x0  }
0x24: {  	s3 =	sadd.s32 $0x88, s3;
	s6 =	simm.s32 @!p1 $0x1082;
	[sflag:s4] =	ssyncset.s32 $0xFFFFF086  }
0x25: {  	[simem:s6], [sflag:s4] =	dma.local [hbm:s3], $0xF7A  }
0x26: {  	[smem:$0x3F98] =	sst s1;
	(tag) =	ssettag s2;
	_ =	strace s9  }
0x27: {  	s1 =	sld [smem:$0x3FA8]  }
0x28: {  	s2 =	sld [smem:$0x3FA9]  }
0x29: {  	s4 =	sld [smem:$0x3FAB]  }
0x2a: {  	p0 =	seq.s32 s5, $0x0;
	s5 =	sld [smem:$0x3FAC]  }
0x2b: {  	s6 =	sld [smem:$0x3FAD]  }
0x2c: {  	s7 =	sld [smem:$0x3FAE]  }
0x2d: {  	s3 =	simm.s32 $0x108;
	s8 =	sld [smem:$0x3FAF]  }
0x2e: {  	s3 =	simm.s32 @!p0 $0x1082;
	s9 =	sld [smem:$0x3FB0]  }
0x2f: {  	lr =	sadd.s32 s0, s3;
	s0 =	sld [smem:$0x3FA7]  }
0x30: {  	s3 =	sld [smem:$0x3FAA]  }
0x31: {  	[smem:$0x3FB3] =	sst s10  }
0x32: {  	s10 =	sld [smem:$0x3FB1];
	_ =	sdelay $0x3  }
0x33: {  	p0 =	seq.s32 s10, $0x1;
	s10 =	sld [smem:$0x3FB3];
	_ =	sdelay $0x3  }
0x34: {  	[smem:$0x3FB3] =	sst s10  }
0x35: {  	s10 =	sld [smem:$0x3FB2];
	_ =	sdelay $0x3  }
0x36: {  	p1 =	seq.s32 s10, $0x1;
	s10 =	sld [smem:$0x3FB3];
	_ =	sdelay $0x3  }
0x37: {  	[smem:$0x3FB3] =	sst s10  }
0x38: {  	s10 =	sld [smem:$0x3FB4]  }
0x39: {  	_ = 	snop;
	(pc) =	sbr.ind lr, $3  }
0x3a: {  	_ = 	snop  }
0x3b: {  	_ = 	snop  }
0x3c: {  	p2 =	seq.s32 s10, $0x1;
	s10 =	sld [smem:$0x3FB3]  }
0x3d: {  	_ =	shalt  }
0x3e: {  	_ =	shalt  }
0x3f: {  	_ =	shalt  }
0x40: {  	_ =	shalt  }
0x41: {  	_ =	shalt  }
0x42: {  	_ =	shalt  }
0x43: {  	_ =	shalt  }
0x44: {  	_ =	shalt  }
0x45: {  	_ =	shalt  }
0x46: {  	_ =	shalt  }
0x47: {  	_ =	shalt  }
0x48: {  	_ =	shalt  }
0x49: {  	_ =	shalt  }
0x4a: {  	_ =	shalt  }
0x4b: {  	_ =	shalt  }
0x4c: {  	_ =	shalt  }
0x4d: {  	_ =	shalt  }
0x4e: {  	_ =	shalt  }
0x4f: {  	_ =	shalt  }
0x50: {  	_ =	shalt  }
0x51: {  	_ =	shalt  }
0x52: {  	_ =	shalt  }
0x53: {  	_ =	shalt  }
0x54: {  	_ =	shalt  }
0x55: {  	_ =	shalt  }
0x56: {  	_ =	shalt  }
0x57: {  	_ =	shalt  }
0x58: {  	_ =	shalt  }
0x59: {  	_ =	shalt  }
0x5a: {  	_ =	shalt  }
0x5b: {  	_ =	shalt  }
0x5c: {  	_ =	shalt  }
0x5d: {  	_ =	shalt  }
0x5e: {  	_ =	shalt  }
0x5f: {  	_ =	shalt  }
0x60: {  	_ =	shalt  }
0x61: {  	_ =	shalt  }
0x62: {  	_ =	shalt  }
0x63: {  	_ =	shalt  }
0x64: {  	_ =	shalt  }
0x65: {  	_ =	shalt  }
0x66: {  	_ =	shalt  }
0x67: {  	_ =	shalt  }
0x68: {  	_ =	shalt  }
0x69: {  	_ =	shalt  }
0x6a: {  	_ =	shalt  }
0x6b: {  	_ =	shalt  }
0x6c: {  	_ =	shalt  }
0x6d: {  	_ =	shalt  }
0x6e: {  	_ =	shalt  }
0x6f: {  	_ =	shalt  }
0x70: {  	_ =	shalt  }
0x71: {  	_ =	shalt  }
0x72: {  	_ =	shalt  }
0x73: {  	_ =	shalt  }
0x74: {  	_ =	shalt  }
0x75: {  	_ =	shalt  }
0x76: {  	_ =	shalt  }
0x77: {  	_ =	shalt  }
0x78: {  	_ =	shalt  }
0x79: {  	_ =	shalt  }
0x7a: {  	_ =	shalt  }
0x7b: {  	_ =	shalt  }
0x7c: {  	_ =	shalt  }
0x7d: {  	_ =	shalt  }
0x7e: {  	_ =	shalt  }
0x7f: {  	_ =	shalt  }
0x80: {  	_ =	shalt  }
0x81: {  	_ =	shalt  }
0x82: {  	_ =	shalt  }
0x83: {  	_ =	shalt  }
0x84: {  	_ =	shalt  }
0x85: {  	_ =	shalt  }
0x86: {  	_ =	shalt  }
0x87: {  	_ =	shalt  }
.Lfunc_end0:
.L_simem_size_0:
called_computation.3_lowered:
.L_overlay_start_0:
0x88: {  	s2 =	sld [smem:$0x3FD9]  }
0x89: {  	s3 =	sld [smem:$0x3FFE];
	_ =	sdelay $0x1  }
0x8a: {  	s1 =	srdreg.scid  }
0x8b: {  	s0 =	sand.u32 $0x1, s1  }
0x8c: {  	s14 =	sshll.u32 s0, $0xA;
	s2 =	sadd.s32 s3, s2  }
0x8d: {  	s2 =	sadd.s32 s2, s14  }
0x8e: {  	[smem:$0x3FBF] =	sst s2  }
0x8f: {  	_ = 	snop  }
0x90: {  	s2 =	sld [smem:$0x3FD0];
	_ =	sdelay $0x2  }
0x91: {  	s15 =	simm.s32 $0xA;
	s4 =	simm.s32 $0x10  }
0x92: {  	[smem:s4], [sflag:s15] =	dma.local [hbm:s2], $0x1  }
0x93: {  	_ =	swait.eq [sflag:s15], $0x1  }
0x94: {  	[sflag:s15] =	ssyncset.done $0x0  }
0x95: {  	[sflag:s15] =	ssyncadd.s32 $0xFFFFFFFF  }
0x96: {  	s16 =	sld [smem:$0x11];
	(tm) =	ssettm $0x1  }
0x97: {  	s17 =	sld [smem:$0x3FFB];
	_ =	sdelay $0x3  }
0x98: {  	_ =	strace s17  }
0x99: {  	s3 =	sld [smem:$0x3FFC];
	_ =	sdelay $0x3  }
0x9a: {  	_ =	strace s3  }
0x9b: {  	s3 =	sld [smem:$0x3FFD];
	_ =	sdelay $0x3  }
0x9c: {  	_ =	strace s3  }
0x9d: {  	_ =	strace $0x8FFFFFFF  }
0x9e: {  	s18 =	sld [smem:$0x3FDB];
	_ =	sdelay $0x1  }
0x9f: {  	s19 =	simm.s32 $_scs_section_size  }
0xa0: {  	s5 =	simm.s32 $_size__tile_overlayer_lowered;
	s6 =	simm.s32 $_tile_overlayer_lowered  }
0xa1: {  	s22 =	simm.s32 $0x1BFF;
	s21 =	sshll.u32 s6, $0x1;
	s3 =	sadd.s32 s19, s18  }
0xa2: {  	s7 =	simm.s32 $0x0;
	s20 =	sshll.u32 s5, $0x1;
	s5 =	sadd.s32 s21, s3  }
0xa3: {  	[timem:s7], [sflag:s22] =	dma.local [hbm:s5], s20  }
0xa4: {  	_ =	swait.ge [sflag:s22], s20  }
0xa5: {  	s4 =	ssub.s32 $0x0, s20;
	[sflag:s22] =	ssyncset.done $0x0  }
0xa6: {  	[sflag:s22] =	ssyncadd.s32 s4;
	_ =	sdelay $0x1  }
0xa7: {  	s23 =	simm.s32 $0x1B8B  }
0xa8: {  	_ =	swait.ge [sflag:s23], $0x1  }
0xa9: {  	[sflag:s23] =	ssyncset.done $0x0  }
0xaa: {  	s25 =	simm.s32 $0x1B8E;
	s24 =	sld [smem:$0x3FFE];
	[sflag:s23] =	ssyncadd.s32 $0xFFFFFFFF  }
0xab: {  	s26 =	simm.s32 $execute0_lowered;
	[smem:$0x3FD2] =	sst s25  }
0xac: {  	s5 =	sshll.u32 s26, $0x1;
	_ =	strace $0x8000004F;
	[dreg:$0x1] =	wrdreg $0xFFFFFFFF  }
0xad: {  	s28 =	simm.s32 $_size_execute0_lowered;
	s3 =	sadd.s32 s3, s5;
	[dreg:$0x0] =	wrdreg $0x0  }
0xae: {  	s5 =	sshll.u32 s28, $0x1;
	[dreg:$0x2] =	wrdreg s3  }
0xaf: {  	[dreg:$0x3] =	wrdreg s5  }
0xb0: {  	[dreg:$0x4] =	wrdreg $0xC0  }
0xb1: {  	_ =	task [dreg:s7], $0x5FFFF  }
0xb2: {  	[dreg:$0x1] =	wrdreg $0xFFFFFFFF  }
0xb3: {  	[dreg:$0x0] =	wrdreg $0x60  }
0xb4: {  	[dreg:$0x2] =	wrdreg s24  }
0xb5: {  	[dreg:$0x3] =	wrdreg s16  }
0xb6: {  	[dreg:$0x4] =	wrdreg $0x9  }
0xb7: {  	_ =	task.clear_ibuf [dreg:s7], $0x5FFFF;
	_ =	strace $0x9000004F  }
0xb8: {  	s29 =	simm.s32 $0x9;
	_ =	strace $0x80000051  }
0xb9: {  	_ =	swait.ge [sflag:s29], $0x1  }
0xba: {  	[sflag:s29] =	ssyncadd.s32 $0xFFFFFFFF  }
0xbb: {  	_ =	strace $0x90000051  }
0xbc: {  	_ =	sfence  }
0xbd: {  	s30 =	sld [smem:$0x0];
	_ =	sdelay $0x2  }
0xbe: {  	s31 =	sshll.u32 s1, $0xD;
	s1 =	sshrl.u32 s1, $0x2  }
0xbf: {  	s3 =	sand.u32 $0x4000, s31;
	s1 =	sadd.s32 s1, s30  }
0xc0: {  	s0 =	sor.u32 s3, s0;
	s1 =	sshll.u32 s1, $0x11  }
0xc1: {  	s0 =	sor.u32 s1, s0  }
0xc2: {  	s0 =	sadd.s32 $0x8F2B, s0  }
0xc3: {  	[sflag:s0] =	ssyncadd.remote.s32 $0x1  }
0xc4: {  	_ =	sfence.sel $0xFFFF  }
0xc5: {  	[dreg:$0x0] =	wrdreg $0xFFFFFFFF;
	(pc) =	sbr.abs _section_cstart, $3  }
0xc6: {  	[dreg:$0x1] =	wrdreg $0xFFFFFFFF  }
0xc7: {  	_ =	task.clear_ibuf [dreg:s7], $0x2FFFF;
	_ =	strace $0x9FFFFFFF  }
0xc8: {  	(tm) =	ssettm $0x7FFFFFFF  }
0xc9: {  	_ =	shalt  }
tec
execute0_lowered:
.L_overlay_start_1:
0x0: {  	(tag) =	ssettag $0x1  }
0x1: {  	s4 =	rddreg [dreg:$0x0]  }
0x2: {  	s9 =	rddreg [dreg:$0x1]  }
0x3: {  	s1 =	srdreg.scid;
	s0 =	rddreg [dreg:$0x2];
	s2 =	simm.s32 $0x0  }
0x4: {  	s10 =	sand.u32 $0x1, s1;
	[smem:$0x7FF] =	sst s2;
	s1 =	stileid.u32  }
0x5: {  	s3 =	sshll.u32 s10, $0x4;
	_ =	strace $0x80000050;
	s5 =	sshll.u32 s1, $0x4  }
0x6: {  	s11 =	sor.u32 s1, s3;
	s3 =	sadd.s32 $0x2800, s4;
	s5 =	sand.u32 $0x70, s5  }
0x7: {  	s6 =	sshll.u32 s11, $0x5;
	s5 =	sadd.s32 s5, s4;
	s4 =	simm.s32 $0x1  }
0x8: {  	[tilespmem:s2], [sflag:$0x1] =	stream.linear.gather [hbm4b:s3+s2], $0x2800, $0x38;
	[tilespmem:$0x2A00] =	vst v63  }
0x9: {  	s7 =	simm.s32 $0x400;
	s6 =	sand.u32 $0x300, s6;
	_ =	swait.ge [sflag:s4], $0x2800  }
0xa: {  	s8 =	simm.s32 $0x2800;
	s5 =	sadd.s32 s6, s5;
	[sflag:s4] =	ssyncset.done $0x0  }
0xb: {  	s6 =	simm.s32 $0x80;
	s5 =	sadd.s32 $0xA2800, s5;
	[sflag:s4] =	ssyncadd.s32 $0xFFFFD800  }
0xc: {  	[tilespmem:s8], [sflag:$0x1] =	stream.strided.gather [hbm4b:s5+s6], $0x100, s7, s6, $0x38;
	[tilespmem:$0x2A00] =	vst v63  }
0xd: {  	_ =	swait.ge [sflag:s4], $0x100  }
0xe: {  	[sflag:s4] =	ssyncset.done $0x0  }
0xf: {  	[sflag:s4] =	ssyncadd.s32 $0xFFFFFF00  }
0x10: {  	v0 =	vld [tilespmem:$0x2800];
	_ =	sdelay $0x5  }
0x11: {  	v1 =	vld [tilespmem:$0x2810];
	_ =	sdelay $0x1  }
0x12: {  	v0 =	vld.idx.msk [tilespmem:v0+s2+$0x0], $0xffff;
	_ =	sdelay $0x3  }
0x13: {  	v2 =	vld [tilespmem:$0x2820]  }
0x14: {  	[tilespmem:$0x2900] =	vst v0  }
0x15: {  	v0 =	vld.idx.msk [tilespmem:v1+s2+$0x0], $0xffff;
	_ =	sdelay $0x3  }
0x16: {  	v57 =	vld [tilespmem:$0x2830]  }
0x17: {  	[tilespmem:$0x2910] =	vst v0  }
0x18: {  	v0 =	vld.idx.msk [tilespmem:v2+s2+$0x0], $0xffff;
	_ =	sdelay $0x3  }
0x19: {  	v58 =	vld [tilespmem:$0x2840]  }
0x1a: {  	[tilespmem:$0x2920] =	vst v0  }
0x1b: {  	v0 =	vld.idx.msk [tilespmem:v57+s2+$0x0], $0xffff;
	_ =	sdelay $0x3  }
0x1c: {  	v59 =	vld [tilespmem:$0x2850]  }
0x1d: {  	[tilespmem:$0x2930] =	vst v0  }
0x1e: {  	v0 =	vld.idx.msk [tilespmem:v58+s2+$0x0], $0xffff;
	_ =	sdelay $0x3  }
0x1f: {  	v60 =	vld [tilespmem:$0x2860]  }
0x20: {  	[tilespmem:$0x2940] =	vst v0  }
0x21: {  	v0 =	vld.idx.msk [tilespmem:v59+s2+$0x0], $0xffff;
	_ =	sdelay $0x3  }
0x22: {  	v61 =	vld [tilespmem:$0x2870]  }
0x23: {  	[tilespmem:$0x2950] =	vst v0  }
0x24: {  	v0 =	vld.idx.msk [tilespmem:v60+s2+$0x0], $0xffff;
	_ =	sdelay $0x3  }
0x25: {  	v62 =	vld [tilespmem:$0x2880]  }
0x26: {  	[tilespmem:$0x2960] =	vst v0  }
0x27: {  	v0 =	vld.idx.msk [tilespmem:v61+s2+$0x0], $0xffff;
	_ =	sdelay $0x3  }
0x28: {  	v63 =	vld [tilespmem:$0x2890]  }
0x29: {  	[tilespmem:$0x2970] =	vst v0  }
0x2a: {  	v0 =	vld.idx.msk [tilespmem:v62+s2+$0x0], $0xffff;
	_ =	sdelay $0x4  }
0x2b: {  	s10 =	ssub.s32 $0x2, s10;
	[tilespmem:$0x2980] =	vst v0  }
0x2c: {  	s12 =	sshrl.u32 s10, $0x1;
	v0 =	vld.idx.msk [tilespmem:v63+s2+$0x0], $0xffff  }
0x2d: {  	s10 =	ssub.s32 s10, s12  }
0x2e: {  	s31 =	smax.u32 s10, $0x1  }
0x2f: {  	s11 =	smul.u32 $0x14, s11;
	p0 =	sne.s32 s31, $0x1  }
.Ltmp0:
0x30: {  	_ = 	snop;
	(pc) =	sbr.rel @!p0 .LBB2_2-.Ltmp0, $4  }
0x31: {  	s10 =	simm.s32 $0x2900;
	s9 =	sadd.s32 s9, s11;
	[tilespmem:$0x2990] =	vst v0  }
0x32: {  	[hbm4b:s9+s2] =	stream.linear.scatter [tilespmem:s10], [sflag:$0x1], $0xA0, $0x38;
	[tilespmem:$0x2A00] =	vst v63  }
0x33: {  	_ =	swait.ge [sflag:s4], $0xA0  }
0x34: {  	s11 =	sadd.s32 $0xFFFFFFFF, s31;
	[sflag:s4] =	ssyncset.done $0x0  }
.LBB2_1:
0x35: {  	p0 =	sne.s32 s11, $0x1;
	s11 =	sadd.s32 $0xFFFFFFFF, s11;
	[sflag:s4] =	ssyncadd.s32 $0xFFFFFF60  }
0x36: {  	[tilespmem:s2], [sflag:$0x1] =	stream.linear.gather [hbm4b:s3+s2], $0x2800, $0x38;
	[tilespmem:$0x2A00] =	vst v63  }
0x37: {  	_ =	swait.ge [sflag:s4], $0x2800  }
0x38: {  	[sflag:s4] =	ssyncset.done $0x0  }
0x39: {  	[sflag:s4] =	ssyncadd.s32 $0xFFFFD800  }
0x3a: {  	[tilespmem:s8], [sflag:$0x1] =	stream.strided.gather [hbm4b:s5+s6], $0x100, s7, s6, $0x38;
	[tilespmem:$0x2A00] =	vst v63  }
0x3b: {  	_ =	swait.ge [sflag:s4], $0x100  }
0x3c: {  	[sflag:s4] =	ssyncset.done $0x0  }
0x3d: {  	[sflag:s4] =	ssyncadd.s32 $0xFFFFFF00  }
0x3e: {  	v0 =	vld [tilespmem:$0x2800];
	_ =	sdelay $0x6  }
0x3f: {  	v1 =	vld [tilespmem:$0x2810]  }
0x40: {  	v0 =	vld.idx.msk [tilespmem:v0+s2+$0x0], $0xffff;
	_ =	sdelay $0x5  }
0x41: {  	[tilespmem:$0x2900] =	vst v0;
	v0 =	vld [tilespmem:$0x2820]  }
0x42: {  	v1 =	vld.idx.msk [tilespmem:v1+s2+$0x0], $0xffff;
	_ =	sdelay $0x5  }
0x43: {  	[tilespmem:$0x2910] =	vst v1;
	v1 =	vld [tilespmem:$0x2830]  }
0x44: {  	v0 =	vld.idx.msk [tilespmem:v0+s2+$0x0], $0xffff;
	_ =	sdelay $0x5  }
0x45: {  	[tilespmem:$0x2920] =	vst v0;
	v0 =	vld [tilespmem:$0x2840]  }
0x46: {  	v1 =	vld.idx.msk [tilespmem:v1+s2+$0x0], $0xffff;
	_ =	sdelay $0x5  }
0x47: {  	[tilespmem:$0x2930] =	vst v1;
	v1 =	vld [tilespmem:$0x2850]  }
0x48: {  	v0 =	vld.idx.msk [tilespmem:v0+s2+$0x0], $0xffff;
	_ =	sdelay $0x5  }
0x49: {  	[tilespmem:$0x2940] =	vst v0;
	v0 =	vld [tilespmem:$0x2860]  }
0x4a: {  	v1 =	vld.idx.msk [tilespmem:v1+s2+$0x0], $0xffff;
	_ =	sdelay $0x5  }
0x4b: {  	[tilespmem:$0x2950] =	vst v1;
	v1 =	vld [tilespmem:$0x2870]  }
0x4c: {  	v0 =	vld.idx.msk [tilespmem:v0+s2+$0x0], $0xffff;
	_ =	sdelay $0x5  }
0x4d: {  	[tilespmem:$0x2960] =	vst v0;
	v0 =	vld [tilespmem:$0x2880]  }
0x4e: {  	v1 =	vld.idx.msk [tilespmem:v1+s2+$0x0], $0xffff;
	_ =	sdelay $0x5  }
0x4f: {  	[tilespmem:$0x2970] =	vst v1;
	v1 =	vld [tilespmem:$0x2890]  }
0x50: {  	v0 =	vld.idx.msk [tilespmem:v0+s2+$0x0], $0xffff;
	_ =	sdelay $0x5  }
0x51: {  	[tilespmem:$0x2980] =	vst v0  }
0x52: {  	v0 =	vld.idx.msk [tilespmem:v1+s2+$0x0], $0xffff;
	_ =	sdelay $0x4  }
.Ltmp1:
0x53: {  	(pc) =	sbr.rel @p0 .LBB2_1-.Ltmp1, $4  }
0x54: {  	[tilespmem:$0x2990] =	vst v0  }
0x55: {  	[hbm4b:s9+s2] =	stream.linear.scatter [tilespmem:s10], [sflag:$0x1], $0xA0, $0x38;
	[tilespmem:$0x2A00] =	vst v63  }
0x56: {  	_ =	swait.ge [sflag:s4], $0xA0  }
0x57: {  	[sflag:s4] =	ssyncset.done $0x0  }
.LBB2_2:
0x58: {  	[sflag:s4] =	ssyncadd.s32 $0xFFFFFF60  }
0x59: {  	_ =	sfence.sel $0x180000  }
0x5a: {  	[bflag:$0x0] =	sbarrier.arrive $0xFFFF  }
0x5b: {  	p0 =	sne.s32 s1, $0x0;
	_ =	strace $0x90000050  }
0x5c: {  	s0 =	sadd.s32 @!p0 $0x100000, s0;
	[bflag:$0x2] =	sbarrier.arrive $0xFFFF  }
0x5d: {  	[sflag:s0] =	ssyncadd.tile.s32 @!p0 $0x1;
	_ =	shalt  }
.Lfunc_end2:
_tile_overlayer_lowered:
.L_overlay_start_2:
0x5e: {  	(tag) =	ssettag $0x2  }
0x5f: {  	s0 =	rddreg [dreg:$0x0];
	s2 =	stileid.u32  }
0x60: {  	s1 =	rddreg [dreg:$0x1];
	p0 =	sne.s32 s2, $0x0  }
0x61: {  	s3 =	rddreg [dreg:$0x2];
	[bflag:$0x3] =	sbarrier.arrive $0xFFFF;
	s2 =	simm.s32 @!p0 $0x1C01  }
0x62: {  	[timem:s3], [sflag:s2] =	dma.local @!p0 [hbm:s0], s1  }
0x63: {  	s0 =	simm.s32 @!p0 $0x1  }
0x64: {  	_ =	swait.ge @!p0 [sflag:s0], s1  }
0x65: {  	s1 =	ssub.s32 @!p0 $0x0, s1;
	[sflag:s0] =	ssyncset.done @!p0 $0x0  }
0x66: {  	[sflag:s0] =	ssyncadd.s32 @!p0 s1  }
0x67: {  	[bflag:$0x3] =	sbarrier.arrive $0xFFFF  }
0x68: {  	_ =	shalt  }

</sc_bundles>
